<compile_context>
chip_gen: v7x
topology: tpu7x:2x2x1
jax: 0.10.2.dev20260603
libtpu: 0.0.44.dev20260713+nightly
codegen_flags: <defaults>
</compile_context>

<pallas_src>
import functools

import jax
import jax.numpy as jnp
from jax import lax
from jax.experimental import pallas as pl
from jax.experimental.pallas import tpu as pltpu
from jax.experimental.pallas import tpu_sc as plsc

N_NODES = 10000
N_EDGES = 320000
D = 128

NC = 2
NS = 16
NW = NC * NS
C = 128
EPT = N_EDGES // NW
K = 2 * (-(-EPT // (2 * C)))
PPT = K * C - EPT
NPAD = 10240
RPT = NPAD // NS

_sc_mesh = plsc.VectorSubcoreMesh(core_axis_name="c", subcore_axis_name="s")


@functools.partial(
    pl.kernel,
    mesh=_sc_mesh,
    out_type=[
        jax.ShapeDtypeStruct((NC, NPAD, D), jnp.float32),
        jax.ShapeDtypeStruct((NC, NPAD), jnp.float32),
    ],
    scratch_types=[
        pltpu.VMEM((K, C), jnp.int32),
        pltpu.VMEM((2, C), jnp.int32),
        pltpu.VMEM((2, C), jnp.int32),
        pltpu.VMEM((C, D), jnp.float32),
        pltpu.VMEM((C, D), jnp.float32),
        pltpu.VMEM((C,), jnp.float32),
        pltpu.VMEM_SHARED((NPAD, D), jnp.float32),
        pltpu.VMEM_SHARED((NPAD,), jnp.float32),
        pltpu.SemaphoreType.DMA,
        pltpu.SemaphoreType.DMA,
    ],
)
def _sc_aggregate(x_hbm, pk_hbm, zrows_hbm, zcnt_hbm, ones_hbm,
                  agg_out, cnt_out, pk_v, src_c, dst_c, rows0_v, rows1_v,
                  ones_v, agg_s, cnt_s, sem0, sem1):
    cid = lax.axis_index("c")
    sid = lax.axis_index("s")
    wid = cid * NS + sid

    pltpu.sync_copy(zrows_hbm, agg_s.at[pl.ds(sid * RPT, RPT)])

    @pl.when(sid == 0)
    def _():
        pltpu.sync_copy(zcnt_hbm, cnt_s)

    pltpu.sync_copy(pk_hbm.at[wid], pk_v)
    pltpu.sync_copy(ones_hbm, ones_v)
    plsc.subcore_barrier()

    def body(i, carry):
        j0 = 2 * i
        for jj, row in ((j0, 0), (j0 + 1, 1)):
            for v in range(C // 16):
                w = pk_v[jj, pl.ds(v * 16, 16)]
                src_c[row, pl.ds(v * 16, 16)] = jnp.bitwise_and(w, 0xFFFF)
                dst_c[row, pl.ds(v * 16, 16)] = lax.shift_right_logical(w, 16)
        g0 = pltpu.async_copy(x_hbm.at[src_c.at[0]], rows0_v, sem0)
        g1 = pltpu.async_copy(x_hbm.at[src_c.at[1]], rows1_v, sem1)
        g0.wait()
        pltpu.sync_copy(rows0_v, agg_s.at[dst_c.at[0]], add=True)
        pltpu.sync_copy(ones_v, cnt_s.at[dst_c.at[0]], add=True)
        g1.wait()
        pltpu.sync_copy(rows1_v, agg_s.at[dst_c.at[1]], add=True)
        pltpu.sync_copy(ones_v, cnt_s.at[dst_c.at[1]], add=True)
        return carry

    lax.fori_loop(0, K // 2, body, 0)
    plsc.subcore_barrier()

    pltpu.sync_copy(agg_s.at[pl.ds(sid * RPT, RPT)],
                    agg_out.at[cid, pl.ds(sid * RPT, RPT)])

    @pl.when(sid == 0)
    def _():
        pltpu.sync_copy(cnt_s, cnt_out.at[cid])


_TC_R = 1024


def _tc_body(x_ref, agg_ref, cnt_ref, wl_ref, bl_ref, wr_ref, o_ref):
    cnt = jnp.maximum(cnt_ref[0] + cnt_ref[1], 1.0)
    agg_mean = (agg_ref[0] + agg_ref[1]) / cnt[:, None]
    h = lax.dot_general(agg_mean, wl_ref[...],
                        (((1,), (1,)), ((), ())),
                        preferred_element_type=jnp.float32)
    h = h + lax.dot_general(x_ref[...], wr_ref[...],
                            (((1,), (1,)), ((), ())),
                            preferred_element_type=jnp.float32)
    h = h + bl_ref[...]
    o_ref[...] = x_ref[...] + jnp.maximum(h, 0.0)


def _tc_combine(x, agg, cnt, W_l, b_l, W_r):
    grid = pl.cdiv(N_NODES, _TC_R)
    return pl.pallas_call(
        _tc_body,
        grid=(grid,),
        in_specs=[
            pl.BlockSpec((_TC_R, D), lambda i: (i, 0)),
            pl.BlockSpec((NC, _TC_R, D), lambda i: (0, i, 0)),
            pl.BlockSpec((NC, _TC_R), lambda i: (0, i)),
            pl.BlockSpec((D, D), lambda i: (0, 0)),
            pl.BlockSpec((1, D), lambda i: (0, 0)),
            pl.BlockSpec((D, D), lambda i: (0, 0)),
        ],
        out_specs=pl.BlockSpec((_TC_R, D), lambda i: (i, 0)),
        out_shape=jax.ShapeDtypeStruct((N_NODES, D), jnp.float32),
    )(x, agg, cnt, W_l, b_l, W_r)


def kernel(x, edge_index, W_l, b_l, W_r):
    src = edge_index[0].astype(jnp.int32)
    dst = edge_index[1].astype(jnp.int32)
    src_p = jnp.concatenate(
        [src.reshape(NW, EPT), jnp.zeros((NW, PPT), jnp.int32)], axis=1)
    dump = jnp.broadcast_to(N_NODES + jnp.arange(PPT, dtype=jnp.int32),
                            (NW, PPT))
    dst_p = jnp.concatenate([dst.reshape(NW, EPT), dump], axis=1)
    pk = ((dst_p << 16) | src_p).reshape(NW, K, C)
    zrows = jnp.zeros((RPT, D), jnp.float32)
    zcnt = jnp.zeros((NPAD,), jnp.float32)
    ones_c = jnp.ones((C,), jnp.float32)
    agg, cnt = _sc_aggregate(x, pk, zrows, zcnt, ones_c)
    return _tc_combine(x, agg, cnt, W_l, b_l.reshape(1, D), W_r)

# --- scband reference (transcript-rebuilt; emitter-appended) ---
"""Pipeline reference for scband-sage-31138512896564 (READ-ONLY COPY).

The authoritative reference and input builder live on the scoring server;
editing this copy changes nothing except your own understanding.
"""

import jax, jax.numpy as jnp
import numpy as np

N_NODES = 10000
N_EDGES = 320000
D = 128

def setup_inputs(seed: int = 0) -> dict:
    key = jax.random.key(seed)
    k1, k2, k3, k4, k5 = jax.random.split(key, 5)
    x = jax.random.normal(k1, (N_NODES, D), dtype=jnp.float32)
    edge_index = jax.random.randint(k2, (2, N_EDGES), 0, N_NODES, dtype=jnp.int64)
    # SAGEConv(nfeat, nfeat) params: lin_l (neighbor path, with bias), lin_r (root path, no bias)
    scale = 1.0 / np.sqrt(D)
    W_l = jax.random.uniform(k3, (D, D), dtype=jnp.float32, minval=-scale, maxval=scale)
    b_l = jnp.zeros((D,), dtype=jnp.float32)
    W_r = jax.random.uniform(k4, (D, D), dtype=jnp.float32, minval=-scale, maxval=scale)
    return {"x": x, "edge_index": edge_index, "W_l": W_l, "b_l": b_l, "W_r": W_r}

def reference(x, edge_index, W_l, b_l, W_r):
    # PyG SAGEConv with default mean aggregation:
    #   out = lin_l(mean_{j in N(i)} x_j) + lin_r(x_i)
    src = edge_index[0]
    dst = edge_index[1]
    msg = jnp.take(x, src, axis=0)                                   # gather [E, D]
    agg_sum = jax.ops.segment_sum(msg, dst, num_segments=N_NODES)    # scatter-add [N, D]
    cnt = jax.ops.segment_sum(jnp.ones((msg.shape[0],), dtype=x.dtype), dst, num_segments=N_NODES)
    cnt = jnp.maximum(cnt, 1.0)
    agg_mean = agg_sum / cnt[:, None]
    out = agg_mean @ W_l.T + b_l + x @ W_r.T
    return x + jax.nn.relu(out)

if __name__ == "__main__":
    import jax
    _d = setup_inputs()
    print(jax.jit(kernel)(*tuple(_d.values())))

</pallas_src>

<mosaic_0001>
#map = affine_map<(d0, d1) -> (0, 0)>
#map1 = affine_map<(d0, d1) -> (0, 0, 0)>
#map2 = affine_map<(d0, d1) -> (0)>
module attributes {stable_mosaic.version = 14 : i64} {
  func.func @_sc_aggregate(%arg0: i32, %arg1: i32, %arg2: memref<10000x128xf32, #tpu.memory_space<hbm>>, %arg3: memref<32x80x128xi32, #tpu.memory_space<hbm>>, %arg4: memref<640x128xf32, #tpu.memory_space<hbm>>, %arg5: memref<10240xf32, #tpu.memory_space<hbm>>, %arg6: memref<128xf32, #tpu.memory_space<hbm>>, %arg7: memref<2x10240x128xf32, #tpu.memory_space<hbm>>, %arg8: memref<2x10240xf32, #tpu.memory_space<hbm>>, %arg9: memref<80x128xi32, #tpu.memory_space<vmem>>, %arg10: memref<2x128xi32, #tpu.memory_space<vmem>>, %arg11: memref<2x128xi32, #tpu.memory_space<vmem>>, %arg12: memref<128x128xf32, #tpu.memory_space<vmem>>, %arg13: memref<128x128xf32, #tpu.memory_space<vmem>>, %arg14: memref<128xf32, #tpu.memory_space<vmem>>, %arg15: memref<10240x128xf32, #tpu.memory_space<vmem_shared>>, %arg16: memref<10240xf32, #tpu.memory_space<vmem_shared>>, %arg17: memref<!tpu.dma_semaphore, #tpu.memory_space<semaphore_mem>>, %arg18: memref<!tpu.dma_semaphore, #tpu.memory_space<semaphore_mem>>) attributes {dimension_semantics = [#tpu.dimension_semantics<core_parallel>, #tpu.dimension_semantics<subcore_parallel>], iteration_bounds = array<i64: 2, 16>, scalar_prefetch = 0 : i64, scratch_operands = 10 : i64, tpu.core_type = #tpu.core_type<sc_vector_subcore>, window_params = [{transform_indices = #map}, {transform_indices = #map1}, {transform_indices = #map}, {transform_indices = #map2}, {transform_indices = #map2}, {transform_indices = #map1}, {transform_indices = #map}]} {
    %mul3A = arith.constant 16 : i32
    %mul3A_0 = arith.muli %arg0, %mul3A : i32
    %add3A = arith.addi %mul3A_0, %arg1 : i32
    %mul3A_1 = arith.constant 640 : i32
    %mul3A_2 = arith.muli %arg1, %mul3A_1 : i32
    "tpu.region"() ({
      %run_scoped3A = tpu.sem_alloc : memref<!tpu.dma_semaphore, #tpu.memory_space<semaphore_mem>>
      %dma_start3A = arith.constant 0 : i32
      %dma_start3A_20 = tpu.memref_slice %arg15[%mul3A_2, %dma_start3A] : memref<10240x128xf32, #tpu.memory_space<vmem_shared>> -> memref<640x128xf32, #tpu.memory_space<vmem_shared>>
      tpu.enqueue_dma source(%arg4 : memref<640x128xf32, #tpu.memory_space<hbm>>) target(%dma_start3A_20 : memref<640x128xf32, #tpu.memory_space<vmem_shared>>) target_semaphore(%run_scoped3A : memref<!tpu.dma_semaphore, #tpu.memory_space<semaphore_mem>>)
      %dma_wait3A = arith.constant 0 : i32
      %dma_wait3A_21 = tpu.memref_slice %arg15[%mul3A_2, %dma_wait3A] : memref<10240x128xf32, #tpu.memory_space<vmem_shared>> -> memref<640x128xf32, #tpu.memory_space<vmem_shared>>
      tpu.wait_dma2 semaphore(%run_scoped3A : memref<!tpu.dma_semaphore, #tpu.memory_space<semaphore_mem>>) src(%arg4 : memref<640x128xf32, #tpu.memory_space<hbm>>) dst(%dma_wait3A_21 : memref<640x128xf32, #tpu.memory_space<vmem_shared>>)
      tpu.yield
    }) : () -> ()
    %eq3A = arith.constant 0 : i32
    %eq3A_3 = arith.cmpi eq, %arg1, %eq3A : i32
    %convert_element_type3A = arith.extui %eq3A_3 : i1 to i32
    %cond3A = arith.constant 0 : i32
    %cond3A_4 = arith.cmpi ne, %convert_element_type3A, %cond3A : i32
    scf.if %cond3A_4 {
      "tpu.region"() ({
        %run_scoped3A = tpu.sem_alloc : memref<!tpu.dma_semaphore, #tpu.memory_space<semaphore_mem>>
        tpu.enqueue_dma source(%arg5 : memref<10240xf32, #tpu.memory_space<hbm>>) target(%arg16 : memref<10240xf32, #tpu.memory_space<vmem_shared>>) target_semaphore(%run_scoped3A : memref<!tpu.dma_semaphore, #tpu.memory_space<semaphore_mem>>)
        tpu.wait_dma2 semaphore(%run_scoped3A : memref<!tpu.dma_semaphore, #tpu.memory_space<semaphore_mem>>) src(%arg5 : memref<10240xf32, #tpu.memory_space<hbm>>) dst(%arg16 : memref<10240xf32, #tpu.memory_space<vmem_shared>>)
        tpu.yield
      }) : () -> ()
    } else {
    }
    "tpu.region"() ({
      %run_scoped3A = tpu.sem_alloc : memref<!tpu.dma_semaphore, #tpu.memory_space<semaphore_mem>>
      %dma_start3A = arith.constant 0 : i32
      %dma_start3A_20 = arith.constant 0 : i32
      %dma_start3A_21 = tpu.memref_slice %arg3[%add3A, %dma_start3A, %dma_start3A_20] : memref<32x80x128xi32, #tpu.memory_space<hbm>> -> memref<1x80x128xi32, #tpu.memory_space<hbm>>
      %dma_start3A_22 = tpu.memref_squeeze %dma_start3A_21 : memref<1x80x128xi32, #tpu.memory_space<hbm>> -> memref<80x128xi32, #tpu.memory_space<hbm>>
      %dma_start3A_23 = arith.constant 0 : i32
      %dma_start3A_24 = arith.constant 0 : i32
      %dma_start3A_25 = tpu.memref_slice %arg3[%add3A, %dma_start3A_23, %dma_start3A_24] : memref<32x80x128xi32, #tpu.memory_space<hbm>> -> memref<1x80x128xi32, #tpu.memory_space<hbm>>
      %dma_start3A_26 = tpu.memref_squeeze %dma_start3A_25 : memref<1x80x128xi32, #tpu.memory_space<hbm>> -> memref<80x128xi32, #tpu.memory_space<hbm>>
      tpu.enqueue_dma source(%dma_start3A_26 : memref<80x128xi32, #tpu.memory_space<hbm>>) target(%arg9 : memref<80x128xi32, #tpu.memory_space<vmem>>) target_semaphore(%run_scoped3A : memref<!tpu.dma_semaphore, #tpu.memory_space<semaphore_mem>>)
      %dma_wait3A = arith.constant 0 : i32
      %dma_wait3A_27 = arith.constant 0 : i32
      %dma_wait3A_28 = tpu.memref_slice %arg3[%add3A, %dma_wait3A, %dma_wait3A_27] : memref<32x80x128xi32, #tpu.memory_space<hbm>> -> memref<1x80x128xi32, #tpu.memory_space<hbm>>
      %dma_wait3A_29 = tpu.memref_squeeze %dma_wait3A_28 : memref<1x80x128xi32, #tpu.memory_space<hbm>> -> memref<80x128xi32, #tpu.memory_space<hbm>>
      %dma_wait3A_30 = arith.constant 0 : i32
      %dma_wait3A_31 = arith.constant 0 : i32
      %dma_wait3A_32 = tpu.memref_slice %arg3[%add3A, %dma_wait3A_30, %dma_wait3A_31] : memref<32x80x128xi32, #tpu.memory_space<hbm>> -> memref<1x80x128xi32, #tpu.memory_space<hbm>>
      %dma_wait3A_33 = tpu.memref_squeeze %dma_wait3A_32 : memref<1x80x128xi32, #tpu.memory_space<hbm>> -> memref<80x128xi32, #tpu.memory_space<hbm>>
      tpu.wait_dma2 semaphore(%run_scoped3A : memref<!tpu.dma_semaphore, #tpu.memory_space<semaphore_mem>>) src(%dma_wait3A_33 : memref<80x128xi32, #tpu.memory_space<hbm>>) dst(%arg9 : memref<80x128xi32, #tpu.memory_space<vmem>>)
      tpu.yield
    }) : () -> ()
    "tpu.region"() ({
      %run_scoped3A = tpu.sem_alloc : memref<!tpu.dma_semaphore, #tpu.memory_space<semaphore_mem>>
      tpu.enqueue_dma source(%arg6 : memref<128xf32, #tpu.memory_space<hbm>>) target(%arg14 : memref<128xf32, #tpu.memory_space<vmem>>) target_semaphore(%run_scoped3A : memref<!tpu.dma_semaphore, #tpu.memory_space<semaphore_mem>>)
      tpu.wait_dma2 semaphore(%run_scoped3A : memref<!tpu.dma_semaphore, #tpu.memory_space<semaphore_mem>>) src(%arg6 : memref<128xf32, #tpu.memory_space<hbm>>) dst(%arg14 : memref<128xf32, #tpu.memory_space<vmem>>)
      tpu.yield
    }) : () -> ()
    %barrier3A = arith.constant 0 : index
    tpu.barrier barrier_id(%barrier3A)
    %scan3A = arith.constant 0 : i32
    %scan3A_5 = arith.constant 0 : i32
    %scan3A_6 = arith.constant 40 : i32
    %scan3A_7 = arith.addi %scan3A_5, %scan3A_6 : i32
    %scan3A_8 = arith.constant 1 : i32
    scf.for %scan3A_20 = %scan3A_5 to %scan3A_7 step %scan3A_8  : i32 {
      %mul3A_21 = arith.constant 2 : i32
      %mul3A_22 = arith.muli %mul3A_21, %scan3A_20 : i32
      %add3A_23 = arith.constant 1 : i32
      %add3A_24 = arith.addi %mul3A_22, %add3A_23 : i32
      %get3A = arith.index_cast %mul3A_22 : i32 to index
      %get3A_25 = arith.constant 0 : index
      %get3A_26 = tpu.vector_load %arg9[%get3A, %get3A_25] {strides = array<i32>} : memref<80x128xi32, #tpu.memory_space<vmem>>, vector<1x16xi32>,
      %get3A_27 = vector.shape_cast %get3A_26 : vector<1x16xi32> to vector<16xi32>
      %and3A = arith.constant 65535 : i32
      %and3A_28 = vector.broadcast %and3A : i32 to vector<16xi32>
      %and3A_29 = arith.andi %get3A_27, %and3A_28 : vector<16xi32>
      %swap3A = arith.constant 0 : i32
      %swap3A_30 = arith.index_cast %swap3A : i32 to index
      %swap3A_31 = arith.constant 0 : index
      %swap3A_32 = tpu.vector_load %arg10[%swap3A_30, %swap3A_31] {strides = array<i32>} : memref<2x128xi32, #tpu.memory_space<vmem>>, vector<1x16xi32>,
      %swap3A_33 = vector.shape_cast %swap3A_32 : vector<1x16xi32> to vector<16xi32>
      %swap3A_34 = vector.shape_cast %and3A_29 : vector<16xi32> to vector<1x16xi32>
      tpu.vector_store %arg10[%swap3A_30, %swap3A_31], %swap3A_34 {strides = array<i32>} : memref<2x128xi32, #tpu.memory_space<vmem>>, vector<1x16xi32>,
      %shift_right_logical3A = arith.constant 16 : i32
      %shift_right_logical3A_35 = vector.broadcast %shift_right_logical3A : i32 to vector<16xi32>
      %shift_right_logical3A_36 = arith.shrui %get3A_27, %shift_right_logical3A_35 : vector<16xi32>
      %swap3A_37 = arith.constant 0 : i32
      %swap3A_38 = arith.index_cast %swap3A_37 : i32 to index
      %swap3A_39 = arith.constant 0 : index
      %swap3A_40 = tpu.vector_load %arg11[%swap3A_38, %swap3A_39] {strides = array<i32>} : memref<2x128xi32, #tpu.memory_space<vmem>>, vector<1x16xi32>,
      %swap3A_41 = vector.shape_cast %swap3A_40 : vector<1x16xi32> to vector<16xi32>
      %swap3A_42 = vector.shape_cast %shift_right_logical3A_36 : vector<16xi32> to vector<1x16xi32>
      tpu.vector_store %arg11[%swap3A_38, %swap3A_39], %swap3A_42 {strides = array<i32>} : memref<2x128xi32, #tpu.memory_space<vmem>>, vector<1x16xi32>,
      %get3A_43 = arith.index_cast %mul3A_22 : i32 to index
      %get3A_44 = arith.constant 16 : index
      %get3A_45 = tpu.vector_load %arg9[%get3A_43, %get3A_44] {strides = array<i32>} : memref<80x128xi32, #tpu.memory_space<vmem>>, vector<1x16xi32>,
      %get3A_46 = vector.shape_cast %get3A_45 : vector<1x16xi32> to vector<16xi32>
      %and3A_47 = arith.constant 65535 : i32
      %and3A_48 = vector.broadcast %and3A_47 : i32 to vector<16xi32>
      %and3A_49 = arith.andi %get3A_46, %and3A_48 : vector<16xi32>
      %swap3A_50 = arith.constant 0 : i32
      %swap3A_51 = arith.index_cast %swap3A_50 : i32 to index
      %swap3A_52 = arith.constant 16 : index
      %swap3A_53 = tpu.vector_load %arg10[%swap3A_51, %swap3A_52] {strides = array<i32>} : memref<2x128xi32, #tpu.memory_space<vmem>>, vector<1x16xi32>,
      %swap3A_54 = vector.shape_cast %swap3A_53 : vector<1x16xi32> to vector<16xi32>
      %swap3A_55 = vector.shape_cast %and3A_49 : vector<16xi32> to vector<1x16xi32>
      tpu.vector_store %arg10[%swap3A_51, %swap3A_52], %swap3A_55 {strides = array<i32>} : memref<2x128xi32, #tpu.memory_space<vmem>>, vector<1x16xi32>,
      %shift_right_logical3A_56 = arith.constant 16 : i32
      %shift_right_logical3A_57 = vector.broadcast %shift_right_logical3A_56 : i32 to vector<16xi32>
      %shift_right_logical3A_58 = arith.shrui %get3A_46, %shift_right_logical3A_57 : vector<16xi32>
      %swap3A_59 = arith.constant 0 : i32
      %swap3A_60 = arith.index_cast %swap3A_59 : i32 to index
      %swap3A_61 = arith.constant 16 : index
      %swap3A_62 = tpu.vector_load %arg11[%swap3A_60, %swap3A_61] {strides = array<i32>} : memref<2x128xi32, #tpu.memory_space<vmem>>, vector<1x16xi32>,
      %swap3A_63 = vector.shape_cast %swap3A_62 : vector<1x16xi32> to vector<16xi32>
      %swap3A_64 = vector.shape_cast %shift_right_logical3A_58 : vector<16xi32> to vector<1x16xi32>
      tpu.vector_store %arg11[%swap3A_60, %swap3A_61], %swap3A_64 {strides = array<i32>} : memref<2x128xi32, #tpu.memory_space<vmem>>, vector<1x16xi32>,
      %get3A_65 = arith.index_cast %mul3A_22 : i32 to index
      %get3A_66 = arith.constant 32 : index
      %get3A_67 = tpu.vector_load %arg9[%get3A_65, %get3A_66] {strides = array<i32>} : memref<80x128xi32, #tpu.memory_space<vmem>>, vector<1x16xi32>,
      %get3A_68 = vector.shape_cast %get3A_67 : vector<1x16xi32> to vector<16xi32>
      %and3A_69 = arith.constant 65535 : i32
      %and3A_70 = vector.broadcast %and3A_69 : i32 to vector<16xi32>
      %and3A_71 = arith.andi %get3A_68, %and3A_70 : vector<16xi32>
      %swap3A_72 = arith.constant 0 : i32
      %swap3A_73 = arith.index_cast %swap3A_72 : i32 to index
      %swap3A_74 = arith.constant 32 : index
      %swap3A_75 = tpu.vector_load %arg10[%swap3A_73, %swap3A_74] {strides = array<i32>} : memref<2x128xi32, #tpu.memory_space<vmem>>, vector<1x16xi32>,
      %swap3A_76 = vector.shape_cast %swap3A_75 : vector<1x16xi32> to vector<16xi32>
      %swap3A_77 = vector.shape_cast %and3A_71 : vector<16xi32> to vector<1x16xi32>
      tpu.vector_store %arg10[%swap3A_73, %swap3A_74], %swap3A_77 {strides = array<i32>} : memref<2x128xi32, #tpu.memory_space<vmem>>, vector<1x16xi32>,
      %shift_right_logical3A_78 = arith.constant 16 : i32
      %shift_right_logical3A_79 = vector.broadcast %shift_right_logical3A_78 : i32 to vector<16xi32>
      %shift_right_logical3A_80 = arith.shrui %get3A_68, %shift_right_logical3A_79 : vector<16xi32>
      %swap3A_81 = arith.constant 0 : i32
      %swap3A_82 = arith.index_cast %swap3A_81 : i32 to index
      %swap3A_83 = arith.constant 32 : index
      %swap3A_84 = tpu.vector_load %arg11[%swap3A_82, %swap3A_83] {strides = array<i32>} : memref<2x128xi32, #tpu.memory_space<vmem>>, vector<1x16xi32>,
      %swap3A_85 = vector.shape_cast %swap3A_84 : vector<1x16xi32> to vector<16xi32>
      %swap3A_86 = vector.shape_cast %shift_right_logical3A_80 : vector<16xi32> to vector<1x16xi32>
      tpu.vector_store %arg11[%swap3A_82, %swap3A_83], %swap3A_86 {strides = array<i32>} : memref<2x128xi32, #tpu.memory_space<vmem>>, vector<1x16xi32>,
      %get3A_87 = arith.index_cast %mul3A_22 : i32 to index
      %get3A_88 = arith.constant 48 : index
      %get3A_89 = tpu.vector_load %arg9[%get3A_87, %get3A_88] {strides = array<i32>} : memref<80x128xi32, #tpu.memory_space<vmem>>, vector<1x16xi32>,
      %get3A_90 = vector.shape_cast %get3A_89 : vector<1x16xi32> to vector<16xi32>
      %and3A_91 = arith.constant 65535 : i32
      %and3A_92 = vector.broadcast %and3A_91 : i32 to vector<16xi32>
      %and3A_93 = arith.andi %get3A_90, %and3A_92 : vector<16xi32>
      %swap3A_94 = arith.constant 0 : i32
      %swap3A_95 = arith.index_cast %swap3A_94 : i32 to index
      %swap3A_96 = arith.constant 48 : index
      %swap3A_97 = tpu.vector_load %arg10[%swap3A_95, %swap3A_96] {strides = array<i32>} : memref<2x128xi32, #tpu.memory_space<vmem>>, vector<1x16xi32>,
      %swap3A_98 = vector.shape_cast %swap3A_97 : vector<1x16xi32> to vector<16xi32>
      %swap3A_99 = vector.shape_cast %and3A_93 : vector<16xi32> to vector<1x16xi32>
      tpu.vector_store %arg10[%swap3A_95, %swap3A_96], %swap3A_99 {strides = array<i32>} : memref<2x128xi32, #tpu.memory_space<vmem>>, vector<1x16xi32>,
      %shift_right_logical3A_100 = arith.constant 16 : i32
      %shift_right_logical3A_101 = vector.broadcast %shift_right_logical3A_100 : i32 to vector<16xi32>
      %shift_right_logical3A_102 = arith.shrui %get3A_90, %shift_right_logical3A_101 : vector<16xi32>
      %swap3A_103 = arith.constant 0 : i32
      %swap3A_104 = arith.index_cast %swap3A_103 : i32 to index
      %swap3A_105 = arith.constant 48 : index
      %swap3A_106 = tpu.vector_load %arg11[%swap3A_104, %swap3A_105] {strides = array<i32>} : memref<2x128xi32, #tpu.memory_space<vmem>>, vector<1x16xi32>,
      %swap3A_107 = vector.shape_cast %swap3A_106 : vector<1x16xi32> to vector<16xi32>
      %swap3A_108 = vector.shape_cast %shift_right_logical3A_102 : vector<16xi32> to vector<1x16xi32>
      tpu.vector_store %arg11[%swap3A_104, %swap3A_105], %swap3A_108 {strides = array<i32>} : memref<2x128xi32, #tpu.memory_space<vmem>>, vector<1x16xi32>,
      %get3A_109 = arith.index_cast %mul3A_22 : i32 to index
      %get3A_110 = arith.constant 64 : index
      %get3A_111 = tpu.vector_load %arg9[%get3A_109, %get3A_110] {strides = array<i32>} : memref<80x128xi32, #tpu.memory_space<vmem>>, vector<1x16xi32>,
      %get3A_112 = vector.shape_cast %get3A_111 : vector<1x16xi32> to vector<16xi32>
      %and3A_113 = arith.constant 65535 : i32
      %and3A_114 = vector.broadcast %and3A_113 : i32 to vector<16xi32>
      %and3A_115 = arith.andi %get3A_112, %and3A_114 : vector<16xi32>
      %swap3A_116 = arith.constant 0 : i32
      %swap3A_117 = arith.index_cast %swap3A_116 : i32 to index
      %swap3A_118 = arith.constant 64 : index
      %swap3A_119 = tpu.vector_load %arg10[%swap3A_117, %swap3A_118] {strides = array<i32>} : memref<2x128xi32, #tpu.memory_space<vmem>>, vector<1x16xi32>,
      %swap3A_120 = vector.shape_cast %swap3A_119 : vector<1x16xi32> to vector<16xi32>
      %swap3A_121 = vector.shape_cast %and3A_115 : vector<16xi32> to vector<1x16xi32>
      tpu.vector_store %arg10[%swap3A_117, %swap3A_118], %swap3A_121 {strides = array<i32>} : memref<2x128xi32, #tpu.memory_space<vmem>>, vector<1x16xi32>,
      %shift_right_logical3A_122 = arith.constant 16 : i32
      %shift_right_logical3A_123 = vector.broadcast %shift_right_logical3A_122 : i32 to vector<16xi32>
      %shift_right_logical3A_124 = arith.shrui %get3A_112, %shift_right_logical3A_123 : vector<16xi32>
      %swap3A_125 = arith.constant 0 : i32
      %swap3A_126 = arith.index_cast %swap3A_125 : i32 to index
      %swap3A_127 = arith.constant 64 : index
      %swap3A_128 = tpu.vector_load %arg11[%swap3A_126, %swap3A_127] {strides = array<i32>} : memref<2x128xi32, #tpu.memory_space<vmem>>, vector<1x16xi32>,
      %swap3A_129 = vector.shape_cast %swap3A_128 : vector<1x16xi32> to vector<16xi32>
      %swap3A_130 = vector.shape_cast %shift_right_logical3A_124 : vector<16xi32> to vector<1x16xi32>
      tpu.vector_store %arg11[%swap3A_126, %swap3A_127], %swap3A_130 {strides = array<i32>} : memref<2x128xi32, #tpu.memory_space<vmem>>, vector<1x16xi32>,
      %get3A_131 = arith.index_cast %mul3A_22 : i32 to index
      %get3A_132 = arith.constant 80 : index
      %get3A_133 = tpu.vector_load %arg9[%get3A_131, %get3A_132] {strides = array<i32>} : memref<80x128xi32, #tpu.memory_space<vmem>>, vector<1x16xi32>,
      %get3A_134 = vector.shape_cast %get3A_133 : vector<1x16xi32> to vector<16xi32>
      %and3A_135 = arith.constant 65535 : i32
      %and3A_136 = vector.broadcast %and3A_135 : i32 to vector<16xi32>
      %and3A_137 = arith.andi %get3A_134, %and3A_136 : vector<16xi32>
      %swap3A_138 = arith.constant 0 : i32
      %swap3A_139 = arith.index_cast %swap3A_138 : i32 to index
      %swap3A_140 = arith.constant 80 : index
      %swap3A_141 = tpu.vector_load %arg10[%swap3A_139, %swap3A_140] {strides = array<i32>} : memref<2x128xi32, #tpu.memory_space<vmem>>, vector<1x16xi32>,
      %swap3A_142 = vector.shape_cast %swap3A_141 : vector<1x16xi32> to vector<16xi32>
      %swap3A_143 = vector.shape_cast %and3A_137 : vector<16xi32> to vector<1x16xi32>
      tpu.vector_store %arg10[%swap3A_139, %swap3A_140], %swap3A_143 {strides = array<i32>} : memref<2x128xi32, #tpu.memory_space<vmem>>, vector<1x16xi32>,
      %shift_right_logical3A_144 = arith.constant 16 : i32
      %shift_right_logical3A_145 = vector.broadcast %shift_right_logical3A_144 : i32 to vector<16xi32>
      %shift_right_logical3A_146 = arith.shrui %get3A_134, %shift_right_logical3A_145 : vector<16xi32>
      %swap3A_147 = arith.constant 0 : i32
      %swap3A_148 = arith.index_cast %swap3A_147 : i32 to index
      %swap3A_149 = arith.constant 80 : index
      %swap3A_150 = tpu.vector_load %arg11[%swap3A_148, %swap3A_149] {strides = array<i32>} : memref<2x128xi32, #tpu.memory_space<vmem>>, vector<1x16xi32>,
      %swap3A_151 = vector.shape_cast %swap3A_150 : vector<1x16xi32> to vector<16xi32>
      %swap3A_152 = vector.shape_cast %shift_right_logical3A_146 : vector<16xi32> to vector<1x16xi32>
      tpu.vector_store %arg11[%swap3A_148, %swap3A_149], %swap3A_152 {strides = array<i32>} : memref<2x128xi32, #tpu.memory_space<vmem>>, vector<1x16xi32>,
      %get3A_153 = arith.index_cast %mul3A_22 : i32 to index
      %get3A_154 = arith.constant 96 : index
      %get3A_155 = tpu.vector_load %arg9[%get3A_153, %get3A_154] {strides = array<i32>} : memref<80x128xi32, #tpu.memory_space<vmem>>, vector<1x16xi32>,
      %get3A_156 = vector.shape_cast %get3A_155 : vector<1x16xi32> to vector<16xi32>
      %and3A_157 = arith.constant 65535 : i32
      %and3A_158 = vector.broadcast %and3A_157 : i32 to vector<16xi32>
      %and3A_159 = arith.andi %get3A_156, %and3A_158 : vector<16xi32>
      %swap3A_160 = arith.constant 0 : i32
      %swap3A_161 = arith.index_cast %swap3A_160 : i32 to index
      %swap3A_162 = arith.constant 96 : index
      %swap3A_163 = tpu.vector_load %arg10[%swap3A_161, %swap3A_162] {strides = array<i32>} : memref<2x128xi32, #tpu.memory_space<vmem>>, vector<1x16xi32>,
      %swap3A_164 = vector.shape_cast %swap3A_163 : vector<1x16xi32> to vector<16xi32>
      %swap3A_165 = vector.shape_cast %and3A_159 : vector<16xi32> to vector<1x16xi32>
      tpu.vector_store %arg10[%swap3A_161, %swap3A_162], %swap3A_165 {strides = array<i32>} : memref<2x128xi32, #tpu.memory_space<vmem>>, vector<1x16xi32>,
      %shift_right_logical3A_166 = arith.constant 16 : i32
      %shift_right_logical3A_167 = vector.broadcast %shift_right_logical3A_166 : i32 to vector<16xi32>
      %shift_right_logical3A_168 = arith.shrui %get3A_156, %shift_right_logical3A_167 : vector<16xi32>
      %swap3A_169 = arith.constant 0 : i32
      %swap3A_170 = arith.index_cast %swap3A_169 : i32 to index
      %swap3A_171 = arith.constant 96 : index
      %swap3A_172 = tpu.vector_load %arg11[%swap3A_170, %swap3A_171] {strides = array<i32>} : memref<2x128xi32, #tpu.memory_space<vmem>>, vector<1x16xi32>,
      %swap3A_173 = vector.shape_cast %swap3A_172 : vector<1x16xi32> to vector<16xi32>
      %swap3A_174 = vector.shape_cast %shift_right_logical3A_168 : vector<16xi32> to vector<1x16xi32>
      tpu.vector_store %arg11[%swap3A_170, %swap3A_171], %swap3A_174 {strides = array<i32>} : memref<2x128xi32, #tpu.memory_space<vmem>>, vector<1x16xi32>,
      %get3A_175 = arith.index_cast %mul3A_22 : i32 to index
      %get3A_176 = arith.constant 112 : index
      %get3A_177 = tpu.vector_load %arg9[%get3A_175, %get3A_176] {strides = array<i32>} : memref<80x128xi32, #tpu.memory_space<vmem>>, vector<1x16xi32>,
      %get3A_178 = vector.shape_cast %get3A_177 : vector<1x16xi32> to vector<16xi32>
      %and3A_179 = arith.constant 65535 : i32
      %and3A_180 = vector.broadcast %and3A_179 : i32 to vector<16xi32>
      %and3A_181 = arith.andi %get3A_178, %and3A_180 : vector<16xi32>
      %swap3A_182 = arith.constant 0 : i32
      %swap3A_183 = arith.index_cast %swap3A_182 : i32 to index
      %swap3A_184 = arith.constant 112 : index
      %swap3A_185 = tpu.vector_load %arg10[%swap3A_183, %swap3A_184] {strides = array<i32>} : memref<2x128xi32, #tpu.memory_space<vmem>>, vector<1x16xi32>,
      %swap3A_186 = vector.shape_cast %swap3A_185 : vector<1x16xi32> to vector<16xi32>
      %swap3A_187 = vector.shape_cast %and3A_181 : vector<16xi32> to vector<1x16xi32>
      tpu.vector_store %arg10[%swap3A_183, %swap3A_184], %swap3A_187 {strides = array<i32>} : memref<2x128xi32, #tpu.memory_space<vmem>>, vector<1x16xi32>,
      %shift_right_logical3A_188 = arith.constant 16 : i32
      %shift_right_logical3A_189 = vector.broadcast %shift_right_logical3A_188 : i32 to vector<16xi32>
      %shift_right_logical3A_190 = arith.shrui %get3A_178, %shift_right_logical3A_189 : vector<16xi32>
      %swap3A_191 = arith.constant 0 : i32
      %swap3A_192 = arith.index_cast %swap3A_191 : i32 to index
      %swap3A_193 = arith.constant 112 : index
      %swap3A_194 = tpu.vector_load %arg11[%swap3A_192, %swap3A_193] {strides = array<i32>} : memref<2x128xi32, #tpu.memory_space<vmem>>, vector<1x16xi32>,
      %swap3A_195 = vector.shape_cast %swap3A_194 : vector<1x16xi32> to vector<16xi32>
      %swap3A_196 = vector.shape_cast %shift_right_logical3A_190 : vector<16xi32> to vector<1x16xi32>
      tpu.vector_store %arg11[%swap3A_192, %swap3A_193], %swap3A_196 {strides = array<i32>} : memref<2x128xi32, #tpu.memory_space<vmem>>, vector<1x16xi32>,
      %get3A_197 = arith.index_cast %add3A_24 : i32 to index
      %get3A_198 = arith.constant 0 : index
      %get3A_199 = tpu.vector_load %arg9[%get3A_197, %get3A_198] {strides = array<i32>} : memref<80x128xi32, #tpu.memory_space<vmem>>, vector<1x16xi32>,
      %get3A_200 = vector.shape_cast %get3A_199 : vector<1x16xi32> to vector<16xi32>
      %and3A_201 = arith.constant 65535 : i32
      %and3A_202 = vector.broadcast %and3A_201 : i32 to vector<16xi32>
      %and3A_203 = arith.andi %get3A_200, %and3A_202 : vector<16xi32>
      %swap3A_204 = arith.constant 1 : i32
      %swap3A_205 = arith.index_cast %swap3A_204 : i32 to index
      %swap3A_206 = arith.constant 0 : index
      %swap3A_207 = tpu.vector_load %arg10[%swap3A_205, %swap3A_206] {strides = array<i32>} : memref<2x128xi32, #tpu.memory_space<vmem>>, vector<1x16xi32>,
      %swap3A_208 = vector.shape_cast %swap3A_207 : vector<1x16xi32> to vector<16xi32>
      %swap3A_209 = vector.shape_cast %and3A_203 : vector<16xi32> to vector<1x16xi32>
      tpu.vector_store %arg10[%swap3A_205, %swap3A_206], %swap3A_209 {strides = array<i32>} : memref<2x128xi32, #tpu.memory_space<vmem>>, vector<1x16xi32>,
      %shift_right_logical3A_210 = arith.constant 16 : i32
      %shift_right_logical3A_211 = vector.broadcast %shift_right_logical3A_210 : i32 to vector<16xi32>
      %shift_right_logical3A_212 = arith.shrui %get3A_200, %shift_right_logical3A_211 : vector<16xi32>
      %swap3A_213 = arith.constant 1 : i32
      %swap3A_214 = arith.index_cast %swap3A_213 : i32 to index
      %swap3A_215 = arith.constant 0 : index
      %swap3A_216 = tpu.vector_load %arg11[%swap3A_214, %swap3A_215] {strides = array<i32>} : memref<2x128xi32, #tpu.memory_space<vmem>>, vector<1x16xi32>,
      %swap3A_217 = vector.shape_cast %swap3A_216 : vector<1x16xi32> to vector<16xi32>
      %swap3A_218 = vector.shape_cast %shift_right_logical3A_212 : vector<16xi32> to vector<1x16xi32>
      tpu.vector_store %arg11[%swap3A_214, %swap3A_215], %swap3A_218 {strides = array<i32>} : memref<2x128xi32, #tpu.memory_space<vmem>>, vector<1x16xi32>,
      %get3A_219 = arith.index_cast %add3A_24 : i32 to index
      %get3A_220 = arith.constant 16 : index
      %get3A_221 = tpu.vector_load %arg9[%get3A_219, %get3A_220] {strides = array<i32>} : memref<80x128xi32, #tpu.memory_space<vmem>>, vector<1x16xi32>,
      %get3A_222 = vector.shape_cast %get3A_221 : vector<1x16xi32> to vector<16xi32>
      %and3A_223 = arith.constant 65535 : i32
      %and3A_224 = vector.broadcast %and3A_223 : i32 to vector<16xi32>
      %and3A_225 = arith.andi %get3A_222, %and3A_224 : vector<16xi32>
      %swap3A_226 = arith.constant 1 : i32
      %swap3A_227 = arith.index_cast %swap3A_226 : i32 to index
      %swap3A_228 = arith.constant 16 : index
      %swap3A_229 = tpu.vector_load %arg10[%swap3A_227, %swap3A_228] {strides = array<i32>} : memref<2x128xi32, #tpu.memory_space<vmem>>, vector<1x16xi32>,
      %swap3A_230 = vector.shape_cast %swap3A_229 : vector<1x16xi32> to vector<16xi32>
      %swap3A_231 = vector.shape_cast %and3A_225 : vector<16xi32> to vector<1x16xi32>
      tpu.vector_store %arg10[%swap3A_227, %swap3A_228], %swap3A_231 {strides = array<i32>} : memref<2x128xi32, #tpu.memory_space<vmem>>, vector<1x16xi32>,
      %shift_right_logical3A_232 = arith.constant 16 : i32
      %shift_right_logical3A_233 = vector.broadcast %shift_right_logical3A_232 : i32 to vector<16xi32>
      %shift_right_logical3A_234 = arith.shrui %get3A_222, %shift_right_logical3A_233 : vector<16xi32>
      %swap3A_235 = arith.constant 1 : i32
      %swap3A_236 = arith.index_cast %swap3A_235 : i32 to index
      %swap3A_237 = arith.constant 16 : index
      %swap3A_238 = tpu.vector_load %arg11[%swap3A_236, %swap3A_237] {strides = array<i32>} : memref<2x128xi32, #tpu.memory_space<vmem>>, vector<1x16xi32>,
      %swap3A_239 = vector.shape_cast %swap3A_238 : vector<1x16xi32> to vector<16xi32>
      %swap3A_240 = vector.shape_cast %shift_right_logical3A_234 : vector<16xi32> to vector<1x16xi32>
      tpu.vector_store %arg11[%swap3A_236, %swap3A_237], %swap3A_240 {strides = array<i32>} : memref<2x128xi32, #tpu.memory_space<vmem>>, vector<1x16xi32>,
      %get3A_241 = arith.index_cast %add3A_24 : i32 to index
      %get3A_242 = arith.constant 32 : index
      %get3A_243 = tpu.vector_load %arg9[%get3A_241, %get3A_242] {strides = array<i32>} : memref<80x128xi32, #tpu.memory_space<vmem>>, vector<1x16xi32>,
      %get3A_244 = vector.shape_cast %get3A_243 : vector<1x16xi32> to vector<16xi32>
      %and3A_245 = arith.constant 65535 : i32
      %and3A_246 = vector.broadcast %and3A_245 : i32 to vector<16xi32>
      %and3A_247 = arith.andi %get3A_244, %and3A_246 : vector<16xi32>
      %swap3A_248 = arith.constant 1 : i32
      %swap3A_249 = arith.index_cast %swap3A_248 : i32 to index
      %swap3A_250 = arith.constant 32 : index
      %swap3A_251 = tpu.vector_load %arg10[%swap3A_249, %swap3A_250] {strides = array<i32>} : memref<2x128xi32, #tpu.memory_space<vmem>>, vector<1x16xi32>,
      %swap3A_252 = vector.shape_cast %swap3A_251 : vector<1x16xi32> to vector<16xi32>
      %swap3A_253 = vector.shape_cast %and3A_247 : vector<16xi32> to vector<1x16xi32>
      tpu.vector_store %arg10[%swap3A_249, %swap3A_250], %swap3A_253 {strides = array<i32>} : memref<2x128xi32, #tpu.memory_space<vmem>>, vector<1x16xi32>,
      %shift_right_logical3A_254 = arith.constant 16 : i32
      %shift_right_logical3A_255 = vector.broadcast %shift_right_logical3A_254 : i32 to vector<16xi32>
      %shift_right_logical3A_256 = arith.shrui %get3A_244, %shift_right_logical3A_255 : vector<16xi32>
      %swap3A_257 = arith.constant 1 : i32
      %swap3A_258 = arith.index_cast %swap3A_257 : i32 to index
      %swap3A_259 = arith.constant 32 : index
      %swap3A_260 = tpu.vector_load %arg11[%swap3A_258, %swap3A_259] {strides = array<i32>} : memref<2x128xi32, #tpu.memory_space<vmem>>, vector<1x16xi32>,
      %swap3A_261 = vector.shape_cast %swap3A_260 : vector<1x16xi32> to vector<16xi32>
      %swap3A_262 = vector.shape_cast %shift_right_logical3A_256 : vector<16xi32> to vector<1x16xi32>
      tpu.vector_store %arg11[%swap3A_258, %swap3A_259], %swap3A_262 {strides = array<i32>} : memref<2x128xi32, #tpu.memory_space<vmem>>, vector<1x16xi32>,
      %get3A_263 = arith.index_cast %add3A_24 : i32 to index
      %get3A_264 = arith.constant 48 : index
      %get3A_265 = tpu.vector_load %arg9[%get3A_263, %get3A_264] {strides = array<i32>} : memref<80x128xi32, #tpu.memory_space<vmem>>, vector<1x16xi32>,
      %get3A_266 = vector.shape_cast %get3A_265 : vector<1x16xi32> to vector<16xi32>
      %and3A_267 = arith.constant 65535 : i32
      %and3A_268 = vector.broadcast %and3A_267 : i32 to vector<16xi32>
      %and3A_269 = arith.andi %get3A_266, %and3A_268 : vector<16xi32>
      %swap3A_270 = arith.constant 1 : i32
      %swap3A_271 = arith.index_cast %swap3A_270 : i32 to index
      %swap3A_272 = arith.constant 48 : index
      %swap3A_273 = tpu.vector_load %arg10[%swap3A_271, %swap3A_272] {strides = array<i32>} : memref<2x128xi32, #tpu.memory_space<vmem>>, vector<1x16xi32>,
      %swap3A_274 = vector.shape_cast %swap3A_273 : vector<1x16xi32> to vector<16xi32>
      %swap3A_275 = vector.shape_cast %and3A_269 : vector<16xi32> to vector<1x16xi32>
      tpu.vector_store %arg10[%swap3A_271, %swap3A_272], %swap3A_275 {strides = array<i32>} : memref<2x128xi32, #tpu.memory_space<vmem>>, vector<1x16xi32>,
      %shift_right_logical3A_276 = arith.constant 16 : i32
      %shift_right_logical3A_277 = vector.broadcast %shift_right_logical3A_276 : i32 to vector<16xi32>
      %shift_right_logical3A_278 = arith.shrui %get3A_266, %shift_right_logical3A_277 : vector<16xi32>
      %swap3A_279 = arith.constant 1 : i32
      %swap3A_280 = arith.index_cast %swap3A_279 : i32 to index
      %swap3A_281 = arith.constant 48 : index
      %swap3A_282 = tpu.vector_load %arg11[%swap3A_280, %swap3A_281] {strides = array<i32>} : memref<2x128xi32, #tpu.memory_space<vmem>>, vector<1x16xi32>,
      %swap3A_283 = vector.shape_cast %swap3A_282 : vector<1x16xi32> to vector<16xi32>
      %swap3A_284 = vector.shape_cast %shift_right_logical3A_278 : vector<16xi32> to vector<1x16xi32>
      tpu.vector_store %arg11[%swap3A_280, %swap3A_281], %swap3A_284 {strides = array<i32>} : memref<2x128xi32, #tpu.memory_space<vmem>>, vector<1x16xi32>,
      %get3A_285 = arith.index_cast %add3A_24 : i32 to index
      %get3A_286 = arith.constant 64 : index
      %get3A_287 = tpu.vector_load %arg9[%get3A_285, %get3A_286] {strides = array<i32>} : memref<80x128xi32, #tpu.memory_space<vmem>>, vector<1x16xi32>,
      %get3A_288 = vector.shape_cast %get3A_287 : vector<1x16xi32> to vector<16xi32>
      %and3A_289 = arith.constant 65535 : i32
      %and3A_290 = vector.broadcast %and3A_289 : i32 to vector<16xi32>
      %and3A_291 = arith.andi %get3A_288, %and3A_290 : vector<16xi32>
      %swap3A_292 = arith.constant 1 : i32
      %swap3A_293 = arith.index_cast %swap3A_292 : i32 to index
      %swap3A_294 = arith.constant 64 : index
      %swap3A_295 = tpu.vector_load %arg10[%swap3A_293, %swap3A_294] {strides = array<i32>} : memref<2x128xi32, #tpu.memory_space<vmem>>, vector<1x16xi32>,
      %swap3A_296 = vector.shape_cast %swap3A_295 : vector<1x16xi32> to vector<16xi32>
      %swap3A_297 = vector.shape_cast %and3A_291 : vector<16xi32> to vector<1x16xi32>
      tpu.vector_store %arg10[%swap3A_293, %swap3A_294], %swap3A_297 {strides = array<i32>} : memref<2x128xi32, #tpu.memory_space<vmem>>, vector<1x16xi32>,
      %shift_right_logical3A_298 = arith.constant 16 : i32
      %shift_right_logical3A_299 = vector.broadcast %shift_right_logical3A_298 : i32 to vector<16xi32>
      %shift_right_logical3A_300 = arith.shrui %get3A_288, %shift_right_logical3A_299 : vector<16xi32>
      %swap3A_301 = arith.constant 1 : i32
      %swap3A_302 = arith.index_cast %swap3A_301 : i32 to index
      %swap3A_303 = arith.constant 64 : index
      %swap3A_304 = tpu.vector_load %arg11[%swap3A_302, %swap3A_303] {strides = array<i32>} : memref<2x128xi32, #tpu.memory_space<vmem>>, vector<1x16xi32>,
      %swap3A_305 = vector.shape_cast %swap3A_304 : vector<1x16xi32> to vector<16xi32>
      %swap3A_306 = vector.shape_cast %shift_right_logical3A_300 : vector<16xi32> to vector<1x16xi32>
      tpu.vector_store %arg11[%swap3A_302, %swap3A_303], %swap3A_306 {strides = array<i32>} : memref<2x128xi32, #tpu.memory_space<vmem>>, vector<1x16xi32>,
      %get3A_307 = arith.index_cast %add3A_24 : i32 to index
      %get3A_308 = arith.constant 80 : index
      %get3A_309 = tpu.vector_load %arg9[%get3A_307, %get3A_308] {strides = array<i32>} : memref<80x128xi32, #tpu.memory_space<vmem>>, vector<1x16xi32>,
      %get3A_310 = vector.shape_cast %get3A_309 : vector<1x16xi32> to vector<16xi32>
      %and3A_311 = arith.constant 65535 : i32
      %and3A_312 = vector.broadcast %and3A_311 : i32 to vector<16xi32>
      %and3A_313 = arith.andi %get3A_310, %and3A_312 : vector<16xi32>
      %swap3A_314 = arith.constant 1 : i32
      %swap3A_315 = arith.index_cast %swap3A_314 : i32 to index
      %swap3A_316 = arith.constant 80 : index
      %swap3A_317 = tpu.vector_load %arg10[%swap3A_315, %swap3A_316] {strides = array<i32>} : memref<2x128xi32, #tpu.memory_space<vmem>>, vector<1x16xi32>,
      %swap3A_318 = vector.shape_cast %swap3A_317 : vector<1x16xi32> to vector<16xi32>
      %swap3A_319 = vector.shape_cast %and3A_313 : vector<16xi32> to vector<1x16xi32>
      tpu.vector_store %arg10[%swap3A_315, %swap3A_316], %swap3A_319 {strides = array<i32>} : memref<2x128xi32, #tpu.memory_space<vmem>>, vector<1x16xi32>,
      %shift_right_logical3A_320 = arith.constant 16 : i32
      %shift_right_logical3A_321 = vector.broadcast %shift_right_logical3A_320 : i32 to vector<16xi32>
      %shift_right_logical3A_322 = arith.shrui %get3A_310, %shift_right_logical3A_321 : vector<16xi32>
      %swap3A_323 = arith.constant 1 : i32
      %swap3A_324 = arith.index_cast %swap3A_323 : i32 to index
      %swap3A_325 = arith.constant 80 : index
      %swap3A_326 = tpu.vector_load %arg11[%swap3A_324, %swap3A_325] {strides = array<i32>} : memref<2x128xi32, #tpu.memory_space<vmem>>, vector<1x16xi32>,
      %swap3A_327 = vector.shape_cast %swap3A_326 : vector<1x16xi32> to vector<16xi32>
      %swap3A_328 = vector.shape_cast %shift_right_logical3A_322 : vector<16xi32> to vector<1x16xi32>
      tpu.vector_store %arg11[%swap3A_324, %swap3A_325], %swap3A_328 {strides = array<i32>} : memref<2x128xi32, #tpu.memory_space<vmem>>, vector<1x16xi32>,
      %get3A_329 = arith.index_cast %add3A_24 : i32 to index
      %get3A_330 = arith.constant 96 : index
      %get3A_331 = tpu.vector_load %arg9[%get3A_329, %get3A_330] {strides = array<i32>} : memref<80x128xi32, #tpu.memory_space<vmem>>, vector<1x16xi32>,
      %get3A_332 = vector.shape_cast %get3A_331 : vector<1x16xi32> to vector<16xi32>
      %and3A_333 = arith.constant 65535 : i32
      %and3A_334 = vector.broadcast %and3A_333 : i32 to vector<16xi32>
      %and3A_335 = arith.andi %get3A_332, %and3A_334 : vector<16xi32>
      %swap3A_336 = arith.constant 1 : i32
      %swap3A_337 = arith.index_cast %swap3A_336 : i32 to index
      %swap3A_338 = arith.constant 96 : index
      %swap3A_339 = tpu.vector_load %arg10[%swap3A_337, %swap3A_338] {strides = array<i32>} : memref<2x128xi32, #tpu.memory_space<vmem>>, vector<1x16xi32>,
      %swap3A_340 = vector.shape_cast %swap3A_339 : vector<1x16xi32> to vector<16xi32>
      %swap3A_341 = vector.shape_cast %and3A_335 : vector<16xi32> to vector<1x16xi32>
      tpu.vector_store %arg10[%swap3A_337, %swap3A_338], %swap3A_341 {strides = array<i32>} : memref<2x128xi32, #tpu.memory_space<vmem>>, vector<1x16xi32>,
      %shift_right_logical3A_342 = arith.constant 16 : i32
      %shift_right_logical3A_343 = vector.broadcast %shift_right_logical3A_342 : i32 to vector<16xi32>
      %shift_right_logical3A_344 = arith.shrui %get3A_332, %shift_right_logical3A_343 : vector<16xi32>
      %swap3A_345 = arith.constant 1 : i32
      %swap3A_346 = arith.index_cast %swap3A_345 : i32 to index
      %swap3A_347 = arith.constant 96 : index
      %swap3A_348 = tpu.vector_load %arg11[%swap3A_346, %swap3A_347] {strides = array<i32>} : memref<2x128xi32, #tpu.memory_space<vmem>>, vector<1x16xi32>,
      %swap3A_349 = vector.shape_cast %swap3A_348 : vector<1x16xi32> to vector<16xi32>
      %swap3A_350 = vector.shape_cast %shift_right_logical3A_344 : vector<16xi32> to vector<1x16xi32>
      tpu.vector_store %arg11[%swap3A_346, %swap3A_347], %swap3A_350 {strides = array<i32>} : memref<2x128xi32, #tpu.memory_space<vmem>>, vector<1x16xi32>,
      %get3A_351 = arith.index_cast %add3A_24 : i32 to index
      %get3A_352 = arith.constant 112 : index
      %get3A_353 = tpu.vector_load %arg9[%get3A_351, %get3A_352] {strides = array<i32>} : memref<80x128xi32, #tpu.memory_space<vmem>>, vector<1x16xi32>,
      %get3A_354 = vector.shape_cast %get3A_353 : vector<1x16xi32> to vector<16xi32>
      %and3A_355 = arith.constant 65535 : i32
      %and3A_356 = vector.broadcast %and3A_355 : i32 to vector<16xi32>
      %and3A_357 = arith.andi %get3A_354, %and3A_356 : vector<16xi32>
      %swap3A_358 = arith.constant 1 : i32
      %swap3A_359 = arith.index_cast %swap3A_358 : i32 to index
      %swap3A_360 = arith.constant 112 : index
      %swap3A_361 = tpu.vector_load %arg10[%swap3A_359, %swap3A_360] {strides = array<i32>} : memref<2x128xi32, #tpu.memory_space<vmem>>, vector<1x16xi32>,
      %swap3A_362 = vector.shape_cast %swap3A_361 : vector<1x16xi32> to vector<16xi32>
      %swap3A_363 = vector.shape_cast %and3A_357 : vector<16xi32> to vector<1x16xi32>
      tpu.vector_store %arg10[%swap3A_359, %swap3A_360], %swap3A_363 {strides = array<i32>} : memref<2x128xi32, #tpu.memory_space<vmem>>, vector<1x16xi32>,
      %shift_right_logical3A_364 = arith.constant 16 : i32
      %shift_right_logical3A_365 = vector.broadcast %shift_right_logical3A_364 : i32 to vector<16xi32>
      %shift_right_logical3A_366 = arith.shrui %get3A_354, %shift_right_logical3A_365 : vector<16xi32>
      %swap3A_367 = arith.constant 1 : i32
      %swap3A_368 = arith.index_cast %swap3A_367 : i32 to index
      %swap3A_369 = arith.constant 112 : index
      %swap3A_370 = tpu.vector_load %arg11[%swap3A_368, %swap3A_369] {strides = array<i32>} : memref<2x128xi32, #tpu.memory_space<vmem>>, vector<1x16xi32>,
      %swap3A_371 = vector.shape_cast %swap3A_370 : vector<1x16xi32> to vector<16xi32>
      %swap3A_372 = vector.shape_cast %shift_right_logical3A_366 : vector<16xi32> to vector<1x16xi32>
      tpu.vector_store %arg11[%swap3A_368, %swap3A_369], %swap3A_372 {strides = array<i32>} : memref<2x128xi32, #tpu.memory_space<vmem>>, vector<1x16xi32>,
      %dma_start3A = arith.constant 0 : i32
      %dma_start3A_373 = arith.constant 0 : i32
      %dma_start3A_374 = tpu.memref_slice %arg10[%dma_start3A, %dma_start3A_373] : memref<2x128xi32, #tpu.memory_space<vmem>> -> memref<1x128xi32, #tpu.memory_space<vmem>>
      %dma_start3A_375 = tpu.memref_squeeze %dma_start3A_374 : memref<1x128xi32, #tpu.memory_space<vmem>> -> memref<128xi32, #tpu.memory_space<vmem>>
      %dma_start3A_376 = arith.constant 0 : i32
      %dma_start3A_377 = arith.constant 0 : i32
      %dma_start3A_378 = tpu.memref_slice %arg2[%dma_start3A_376, %dma_start3A_377] : memref<10000x128xf32, #tpu.memory_space<hbm>> -> memref<10000x128xf32, #tpu.memory_space<hbm>>
      tpu.enqueue_indirect_dma source(%dma_start3A_378 : memref<10000x128xf32, #tpu.memory_space<hbm>>) target(%arg12 : memref<128x128xf32, #tpu.memory_space<vmem>>) offsets(%dma_start3A_375 : memref<128xi32, #tpu.memory_space<vmem>>) semaphore(%arg17 : memref<!tpu.dma_semaphore, #tpu.memory_space<semaphore_mem>>)
      %dma_start3A_379 = arith.constant 1 : i32
      %dma_start3A_380 = arith.constant 0 : i32
      %dma_start3A_381 = tpu.memref_slice %arg10[%dma_start3A_379, %dma_start3A_380] : memref<2x128xi32, #tpu.memory_space<vmem>> -> memref<1x128xi32, #tpu.memory_space<vmem>>
      %dma_start3A_382 = tpu.memref_squeeze %dma_start3A_381 : memref<1x128xi32, #tpu.memory_space<vmem>> -> memref<128xi32, #tpu.memory_space<vmem>>
      %dma_start3A_383 = arith.constant 0 : i32
      %dma_start3A_384 = arith.constant 0 : i32
      %dma_start3A_385 = tpu.memref_slice %arg2[%dma_start3A_383, %dma_start3A_384] : memref<10000x128xf32, #tpu.memory_space<hbm>> -> memref<10000x128xf32, #tpu.memory_space<hbm>>
      tpu.enqueue_indirect_dma source(%dma_start3A_385 : memref<10000x128xf32, #tpu.memory_space<hbm>>) target(%arg13 : memref<128x128xf32, #tpu.memory_space<vmem>>) offsets(%dma_start3A_382 : memref<128xi32, #tpu.memory_space<vmem>>) semaphore(%arg18 : memref<!tpu.dma_semaphore, #tpu.memory_space<semaphore_mem>>)
      %dma_wait3A = arith.constant 0 : i32
      %dma_wait3A_386 = arith.constant 0 : i32
      %dma_wait3A_387 = tpu.memref_slice %arg10[%dma_wait3A, %dma_wait3A_386] : memref<2x128xi32, #tpu.memory_space<vmem>> -> memref<1x128xi32, #tpu.memory_space<vmem>>
      %dma_wait3A_388 = tpu.memref_squeeze %dma_wait3A_387 : memref<1x128xi32, #tpu.memory_space<vmem>> -> memref<128xi32, #tpu.memory_space<vmem>>
      %dma_wait3A_389 = arith.constant 0 : i32
      %dma_wait3A_390 = arith.constant 0 : i32
      %dma_wait3A_391 = tpu.memref_slice %arg2[%dma_wait3A_389, %dma_wait3A_390] : memref<10000x128xf32, #tpu.memory_space<hbm>> -> memref<10000x128xf32, #tpu.memory_space<hbm>>
      tpu.wait_indirect_dma semaphore(%arg17 : memref<!tpu.dma_semaphore, #tpu.memory_space<semaphore_mem>>) src(%dma_wait3A_391 : memref<10000x128xf32, #tpu.memory_space<hbm>>) dst(%arg12 : memref<128x128xf32, #tpu.memory_space<vmem>>)
      %run_scoped3A = arith.constant 0 : i32
      "tpu.region"() ({
        %run_scoped3A_402 = tpu.sem_alloc : memref<!tpu.dma_semaphore, #tpu.memory_space<semaphore_mem>>
        %dma_start3A_403 = arith.constant 0 : i32
        %dma_start3A_404 = tpu.memref_slice %arg11[%run_scoped3A, %dma_start3A_403] : memref<2x128xi32, #tpu.memory_space<vmem>> -> memref<1x128xi32, #tpu.memory_space<vmem>>
        %dma_start3A_405 = tpu.memref_squeeze %dma_start3A_404 : memref<1x128xi32, #tpu.memory_space<vmem>> -> memref<128xi32, #tpu.memory_space<vmem>>
        %dma_start3A_406 = arith.constant 0 : i32
        %dma_start3A_407 = arith.constant 0 : i32
        %dma_start3A_408 = tpu.memref_slice %arg15[%dma_start3A_406, %dma_start3A_407] : memref<10240x128xf32, #tpu.memory_space<vmem_shared>> -> memref<10240x128xf32, #tpu.memory_space<vmem_shared>>
        tpu.enqueue_indirect_dma source(%arg12 : memref<128x128xf32, #tpu.memory_space<vmem>>) target(%dma_start3A_408 : memref<10240x128xf32, #tpu.memory_space<vmem_shared>>) offsets(%dma_start3A_405 : memref<128xi32, #tpu.memory_space<vmem>>) semaphore(%run_scoped3A_402 : memref<!tpu.dma_semaphore, #tpu.memory_space<semaphore_mem>>) {add = true}
        %dma_wait3A_409 = arith.constant 0 : i32
        %dma_wait3A_410 = tpu.memref_slice %arg11[%run_scoped3A, %dma_wait3A_409] : memref<2x128xi32, #tpu.memory_space<vmem>> -> memref<1x128xi32, #tpu.memory_space<vmem>>
        %dma_wait3A_411 = tpu.memref_squeeze %dma_wait3A_410 : memref<1x128xi32, #tpu.memory_space<vmem>> -> memref<128xi32, #tpu.memory_space<vmem>>
        %dma_wait3A_412 = arith.constant 0 : i32
        %dma_wait3A_413 = arith.constant 0 : i32
        %dma_wait3A_414 = tpu.memref_slice %arg15[%dma_wait3A_412, %dma_wait3A_413] : memref<10240x128xf32, #tpu.memory_space<vmem_shared>> -> memref<10240x128xf32, #tpu.memory_space<vmem_shared>>
        tpu.wait_indirect_dma semaphore(%run_scoped3A_402 : memref<!tpu.dma_semaphore, #tpu.memory_space<semaphore_mem>>) src(%arg12 : memref<128x128xf32, #tpu.memory_space<vmem>>) dst(%dma_wait3A_414 : memref<10240x128xf32, #tpu.memory_space<vmem_shared>>)
        tpu.yield
      }) : () -> ()
      %run_scoped3A_392 = arith.constant 0 : i32
      "tpu.region"() ({
        %run_scoped3A_402 = tpu.sem_alloc : memref<!tpu.dma_semaphore, #tpu.memory_space<semaphore_mem>>
        %dma_start3A_403 = arith.constant 0 : i32
        %dma_start3A_404 = tpu.memref_slice %arg11[%run_scoped3A_392, %dma_start3A_403] : memref<2x128xi32, #tpu.memory_space<vmem>> -> memref<1x128xi32, #tpu.memory_space<vmem>>
        %dma_start3A_405 = tpu.memref_squeeze %dma_start3A_404 : memref<1x128xi32, #tpu.memory_space<vmem>> -> memref<128xi32, #tpu.memory_space<vmem>>
        %dma_start3A_406 = arith.constant 0 : i32
        %dma_start3A_407 = tpu.memref_slice %arg16[%dma_start3A_406] : memref<10240xf32, #tpu.memory_space<vmem_shared>> -> memref<10240xf32, #tpu.memory_space<vmem_shared>>
        tpu.enqueue_indirect_dma source(%arg14 : memref<128xf32, #tpu.memory_space<vmem>>) target(%dma_start3A_407 : memref<10240xf32, #tpu.memory_space<vmem_shared>>) offsets(%dma_start3A_405 : memref<128xi32, #tpu.memory_space<vmem>>) semaphore(%run_scoped3A_402 : memref<!tpu.dma_semaphore, #tpu.memory_space<semaphore_mem>>) {add = true}
        %dma_wait3A_408 = arith.constant 0 : i32
        %dma_wait3A_409 = tpu.memref_slice %arg11[%run_scoped3A_392, %dma_wait3A_408] : memref<2x128xi32, #tpu.memory_space<vmem>> -> memref<1x128xi32, #tpu.memory_space<vmem>>
        %dma_wait3A_410 = tpu.memref_squeeze %dma_wait3A_409 : memref<1x128xi32, #tpu.memory_space<vmem>> -> memref<128xi32, #tpu.memory_space<vmem>>
        %dma_wait3A_411 = arith.constant 0 : i32
        %dma_wait3A_412 = tpu.memref_slice %arg16[%dma_wait3A_411] : memref<10240xf32, #tpu.memory_space<vmem_shared>> -> memref<10240xf32, #tpu.memory_space<vmem_shared>>
        tpu.wait_indirect_dma semaphore(%run_scoped3A_402 : memref<!tpu.dma_semaphore, #tpu.memory_space<semaphore_mem>>) src(%arg14 : memref<128xf32, #tpu.memory_space<vmem>>) dst(%dma_wait3A_412 : memref<10240xf32, #tpu.memory_space<vmem_shared>>)
        tpu.yield
      }) : () -> ()
      %dma_wait3A_393 = arith.constant 1 : i32
      %dma_wait3A_394 = arith.constant 0 : i32
      %dma_wait3A_395 = tpu.memref_slice %arg10[%dma_wait3A_393, %dma_wait3A_394] : memref<2x128xi32, #tpu.memory_space<vmem>> -> memref<1x128xi32, #tpu.memory_space<vmem>>
      %dma_wait3A_396 = tpu.memref_squeeze %dma_wait3A_395 : memref<1x128xi32, #tpu.memory_space<vmem>> -> memref<128xi32, #tpu.memory_space<vmem>>
      %dma_wait3A_397 = arith.constant 0 : i32
      %dma_wait3A_398 = arith.constant 0 : i32
      %dma_wait3A_399 = tpu.memref_slice %arg2[%dma_wait3A_397, %dma_wait3A_398] : memref<10000x128xf32, #tpu.memory_space<hbm>> -> memref<10000x128xf32, #tpu.memory_space<hbm>>
      tpu.wait_indirect_dma semaphore(%arg18 : memref<!tpu.dma_semaphore, #tpu.memory_space<semaphore_mem>>) src(%dma_wait3A_399 : memref<10000x128xf32, #tpu.memory_space<hbm>>) dst(%arg13 : memref<128x128xf32, #tpu.memory_space<vmem>>)
      %run_scoped3A_400 = arith.constant 1 : i32
      "tpu.region"() ({
        %run_scoped3A_402 = tpu.sem_alloc : memref<!tpu.dma_semaphore, #tpu.memory_space<semaphore_mem>>
        %dma_start3A_403 = arith.constant 0 : i32
        %dma_start3A_404 = tpu.memref_slice %arg11[%run_scoped3A_400, %dma_start3A_403] : memref<2x128xi32, #tpu.memory_space<vmem>> -> memref<1x128xi32, #tpu.memory_space<vmem>>
        %dma_start3A_405 = tpu.memref_squeeze %dma_start3A_404 : memref<1x128xi32, #tpu.memory_space<vmem>> -> memref<128xi32, #tpu.memory_space<vmem>>
        %dma_start3A_406 = arith.constant 0 : i32
        %dma_start3A_407 = arith.constant 0 : i32
        %dma_start3A_408 = tpu.memref_slice %arg15[%dma_start3A_406, %dma_start3A_407] : memref<10240x128xf32, #tpu.memory_space<vmem_shared>> -> memref<10240x128xf32, #tpu.memory_space<vmem_shared>>
        tpu.enqueue_indirect_dma source(%arg13 : memref<128x128xf32, #tpu.memory_space<vmem>>) target(%dma_start3A_408 : memref<10240x128xf32, #tpu.memory_space<vmem_shared>>) offsets(%dma_start3A_405 : memref<128xi32, #tpu.memory_space<vmem>>) semaphore(%run_scoped3A_402 : memref<!tpu.dma_semaphore, #tpu.memory_space<semaphore_mem>>) {add = true}
        %dma_wait3A_409 = arith.constant 0 : i32
        %dma_wait3A_410 = tpu.memref_slice %arg11[%run_scoped3A_400, %dma_wait3A_409] : memref<2x128xi32, #tpu.memory_space<vmem>> -> memref<1x128xi32, #tpu.memory_space<vmem>>
        %dma_wait3A_411 = tpu.memref_squeeze %dma_wait3A_410 : memref<1x128xi32, #tpu.memory_space<vmem>> -> memref<128xi32, #tpu.memory_space<vmem>>
        %dma_wait3A_412 = arith.constant 0 : i32
        %dma_wait3A_413 = arith.constant 0 : i32
        %dma_wait3A_414 = tpu.memref_slice %arg15[%dma_wait3A_412, %dma_wait3A_413] : memref<10240x128xf32, #tpu.memory_space<vmem_shared>> -> memref<10240x128xf32, #tpu.memory_space<vmem_shared>>
        tpu.wait_indirect_dma semaphore(%run_scoped3A_402 : memref<!tpu.dma_semaphore, #tpu.memory_space<semaphore_mem>>) src(%arg13 : memref<128x128xf32, #tpu.memory_space<vmem>>) dst(%dma_wait3A_414 : memref<10240x128xf32, #tpu.memory_space<vmem_shared>>)
        tpu.yield
      }) : () -> ()
      %run_scoped3A_401 = arith.constant 1 : i32
      "tpu.region"() ({
        %run_scoped3A_402 = tpu.sem_alloc : memref<!tpu.dma_semaphore, #tpu.memory_space<semaphore_mem>>
        %dma_start3A_403 = arith.constant 0 : i32
        %dma_start3A_404 = tpu.memref_slice %arg11[%run_scoped3A_401, %dma_start3A_403] : memref<2x128xi32, #tpu.memory_space<vmem>> -> memref<1x128xi32, #tpu.memory_space<vmem>>
        %dma_start3A_405 = tpu.memref_squeeze %dma_start3A_404 : memref<1x128xi32, #tpu.memory_space<vmem>> -> memref<128xi32, #tpu.memory_space<vmem>>
        %dma_start3A_406 = arith.constant 0 : i32
        %dma_start3A_407 = tpu.memref_slice %arg16[%dma_start3A_406] : memref<10240xf32, #tpu.memory_space<vmem_shared>> -> memref<10240xf32, #tpu.memory_space<vmem_shared>>
        tpu.enqueue_indirect_dma source(%arg14 : memref<128xf32, #tpu.memory_space<vmem>>) target(%dma_start3A_407 : memref<10240xf32, #tpu.memory_space<vmem_shared>>) offsets(%dma_start3A_405 : memref<128xi32, #tpu.memory_space<vmem>>) semaphore(%run_scoped3A_402 : memref<!tpu.dma_semaphore, #tpu.memory_space<semaphore_mem>>) {add = true}
        %dma_wait3A_408 = arith.constant 0 : i32
        %dma_wait3A_409 = tpu.memref_slice %arg11[%run_scoped3A_401, %dma_wait3A_408] : memref<2x128xi32, #tpu.memory_space<vmem>> -> memref<1x128xi32, #tpu.memory_space<vmem>>
        %dma_wait3A_410 = tpu.memref_squeeze %dma_wait3A_409 : memref<1x128xi32, #tpu.memory_space<vmem>> -> memref<128xi32, #tpu.memory_space<vmem>>
        %dma_wait3A_411 = arith.constant 0 : i32
        %dma_wait3A_412 = tpu.memref_slice %arg16[%dma_wait3A_411] : memref<10240xf32, #tpu.memory_space<vmem_shared>> -> memref<10240xf32, #tpu.memory_space<vmem_shared>>
        tpu.wait_indirect_dma semaphore(%run_scoped3A_402 : memref<!tpu.dma_semaphore, #tpu.memory_space<semaphore_mem>>) src(%arg14 : memref<128xf32, #tpu.memory_space<vmem>>) dst(%dma_wait3A_412 : memref<10240xf32, #tpu.memory_space<vmem_shared>>)
        tpu.yield
      }) : () -> ()
    }
    %scan3A_9 = arith.constant 40 : i32
    %barrier3A_10 = arith.constant 0 : index
    tpu.barrier barrier_id(%barrier3A_10)
    %mul3A_11 = arith.constant 640 : i32
    %mul3A_12 = arith.muli %arg1, %mul3A_11 : i32
    %mul3A_13 = arith.constant 640 : i32
    %mul3A_14 = arith.muli %arg1, %mul3A_13 : i32
    "tpu.region"() ({
      %run_scoped3A = tpu.sem_alloc : memref<!tpu.dma_semaphore, #tpu.memory_space<semaphore_mem>>
      %dma_start3A = arith.constant 0 : i32
      %dma_start3A_20 = tpu.memref_slice %arg7[%arg0, %mul3A_14, %dma_start3A] : memref<2x10240x128xf32, #tpu.memory_space<hbm>> -> memref<1x640x128xf32, #tpu.memory_space<hbm>>
      %dma_start3A_21 = tpu.memref_squeeze %dma_start3A_20 : memref<1x640x128xf32, #tpu.memory_space<hbm>> -> memref<640x128xf32, #tpu.memory_space<hbm>>
      %dma_start3A_22 = arith.constant 0 : i32
      %dma_start3A_23 = tpu.memref_slice %arg15[%mul3A_12, %dma_start3A_22] : memref<10240x128xf32, #tpu.memory_space<vmem_shared>> -> memref<640x128xf32, #tpu.memory_space<vmem_shared>>
      tpu.enqueue_dma source(%dma_start3A_23 : memref<640x128xf32, #tpu.memory_space<vmem_shared>>) target(%dma_start3A_21 : memref<640x128xf32, #tpu.memory_space<hbm>>) target_semaphore(%run_scoped3A : memref<!tpu.dma_semaphore, #tpu.memory_space<semaphore_mem>>)
      %dma_wait3A = arith.constant 0 : i32
      %dma_wait3A_24 = tpu.memref_slice %arg7[%arg0, %mul3A_14, %dma_wait3A] : memref<2x10240x128xf32, #tpu.memory_space<hbm>> -> memref<1x640x128xf32, #tpu.memory_space<hbm>>
      %dma_wait3A_25 = tpu.memref_squeeze %dma_wait3A_24 : memref<1x640x128xf32, #tpu.memory_space<hbm>> -> memref<640x128xf32, #tpu.memory_space<hbm>>
      %dma_wait3A_26 = arith.constant 0 : i32
      %dma_wait3A_27 = tpu.memref_slice %arg15[%mul3A_12, %dma_wait3A_26] : memref<10240x128xf32, #tpu.memory_space<vmem_shared>> -> memref<640x128xf32, #tpu.memory_space<vmem_shared>>
      tpu.wait_dma2 semaphore(%run_scoped3A : memref<!tpu.dma_semaphore, #tpu.memory_space<semaphore_mem>>) src(%dma_wait3A_27 : memref<640x128xf32, #tpu.memory_space<vmem_shared>>) dst(%dma_wait3A_25 : memref<640x128xf32, #tpu.memory_space<hbm>>)
      tpu.yield
    }) : () -> ()
    %eq3A_15 = arith.constant 0 : i32
    %eq3A_16 = arith.cmpi eq, %arg1, %eq3A_15 : i32
    %convert_element_type3A_17 = arith.extui %eq3A_16 : i1 to i32
    %cond3A_18 = arith.constant 0 : i32
    %cond3A_19 = arith.cmpi ne, %convert_element_type3A_17, %cond3A_18 : i32
    scf.if %cond3A_19 {
      "tpu.region"() ({
        %run_scoped3A = tpu.sem_alloc : memref<!tpu.dma_semaphore, #tpu.memory_space<semaphore_mem>>
        %dma_start3A = arith.constant 0 : i32
        %dma_start3A_20 = tpu.memref_slice %arg8[%arg0, %dma_start3A] : memref<2x10240xf32, #tpu.memory_space<hbm>> -> memref<1x10240xf32, #tpu.memory_space<hbm>>
        %dma_start3A_21 = tpu.memref_squeeze %dma_start3A_20 : memref<1x10240xf32, #tpu.memory_space<hbm>> -> memref<10240xf32, #tpu.memory_space<hbm>>
        tpu.enqueue_dma source(%arg16 : memref<10240xf32, #tpu.memory_space<vmem_shared>>) target(%dma_start3A_21 : memref<10240xf32, #tpu.memory_space<hbm>>) target_semaphore(%run_scoped3A : memref<!tpu.dma_semaphore, #tpu.memory_space<semaphore_mem>>)
        %dma_wait3A = arith.constant 0 : i32
        %dma_wait3A_22 = tpu.memref_slice %arg8[%arg0, %dma_wait3A] : memref<2x10240xf32, #tpu.memory_space<hbm>> -> memref<1x10240xf32, #tpu.memory_space<hbm>>
        %dma_wait3A_23 = tpu.memref_squeeze %dma_wait3A_22 : memref<1x10240xf32, #tpu.memory_space<hbm>> -> memref<10240xf32, #tpu.memory_space<hbm>>
        tpu.wait_dma2 semaphore(%run_scoped3A : memref<!tpu.dma_semaphore, #tpu.memory_space<semaphore_mem>>) src(%arg16 : memref<10240xf32, #tpu.memory_space<vmem_shared>>) dst(%dma_wait3A_23 : memref<10240xf32, #tpu.memory_space<hbm>>)
        tpu.yield
      }) : () -> ()
    } else {
    }
    return
  }
}

module attributes {stable_mosaic.version = 14 : i64} {
  func.func @_tc_body(%arg0: i32, %arg1: memref<1024x128xf32, #tpu.memory_space<vmem>>, %arg2: memref<2x1024x128xf32, #tpu.memory_space<vmem>>, %arg3: memref<2x1024xf32, #tpu.memory_space<vmem>>, %arg4: memref<128x128xf32, #tpu.memory_space<vmem>>, %arg5: memref<1x128xf32, #tpu.memory_space<vmem>>, %arg6: memref<128x128xf32, #tpu.memory_space<vmem>>, %arg7: memref<1024x128xf32, #tpu.memory_space<vmem>>) attributes {dimension_semantics = [#tpu.dimension_semantics<arbitrary>], iteration_bounds = array<i64: 10>, scalar_prefetch = 0 : i64, scratch_operands = 0 : i64, tpu.core_type = #tpu.core_type<tc>, window_params = [{transform_indices = @transform_0, window_bounds = array<i64: 1024, 128>}, {transform_indices = @transform_1, window_bounds = array<i64: 2, 1024, 128>}, {transform_indices = @transform_2, window_bounds = array<i64: 2, 1024>}, {pipeline_mode = #tpu.pipeline_mode<synchronous>, transform_indices = @transform_3, window_bounds = array<i64: 128, 128>}, {pipeline_mode = #tpu.pipeline_mode<synchronous>, transform_indices = @transform_4, window_bounds = array<i64: 1, 128>}, {pipeline_mode = #tpu.pipeline_mode<synchronous>, transform_indices = @transform_5, window_bounds = array<i64: 128, 128>}, {transform_indices = @transform_6, window_bounds = array<i64: 1024, 128>}]} {
    %get3A = arith.constant 0 : index
    %get3A_0 = arith.constant 0 : index
    %get3A_1 = vector.load %arg3[%get3A, %get3A_0] : memref<2x1024xf32, #tpu.memory_space<vmem>>, vector<1x1024xf32>
    %get3A_2 = vector.shape_cast %get3A_1 : vector<1x1024xf32> to vector<1024xf32>
    %get3A_3 = arith.constant 1 : index
    %get3A_4 = arith.constant 0 : index
    %get3A_5 = vector.load %arg3[%get3A_3, %get3A_4] : memref<2x1024xf32, #tpu.memory_space<vmem>>, vector<1x1024xf32>
    %get3A_6 = vector.shape_cast %get3A_5 : vector<1x1024xf32> to vector<1024xf32>
    %add3A = arith.addf %get3A_2, %get3A_6 : vector<1024xf32>
    %max3A = arith.constant 1.000000e+00 : f32
    %max3A_7 = vector.broadcast %max3A : f32 to vector<1024xf32>
    %max3A_8 = arith.maximumf %add3A, %max3A_7 : vector<1024xf32>
    %get3A_9 = arith.constant 0 : index
    %get3A_10 = arith.constant 0 : index
    %get3A_11 = arith.constant 0 : index
    %get3A_12 = vector.load %arg2[%get3A_9, %get3A_10, %get3A_11] : memref<2x1024x128xf32, #tpu.memory_space<vmem>>, vector<1x1024x128xf32>
    %get3A_13 = vector.shape_cast %get3A_12 : vector<1x1024x128xf32> to vector<1024x128xf32>
    %get3A_14 = arith.constant 1 : index
    %get3A_15 = arith.constant 0 : index
    %get3A_16 = arith.constant 0 : index
    %get3A_17 = vector.load %arg2[%get3A_14, %get3A_15, %get3A_16] : memref<2x1024x128xf32, #tpu.memory_space<vmem>>, vector<1x1024x128xf32>
    %get3A_18 = vector.shape_cast %get3A_17 : vector<1x1024x128xf32> to vector<1024x128xf32>
    %add3A_19 = arith.addf %get3A_13, %get3A_18 : vector<1024x128xf32>
    %broadcast_in_dim3A = vector.shape_cast %max3A_8 : vector<1024xf32> to vector<1024x1xf32>
    %div3A = vector.broadcast %broadcast_in_dim3A : vector<1024x1xf32> to vector<1024x128xf32>
    %div3A_20 = arith.divf %add3A_19, %div3A : vector<1024x128xf32>
    %get3A_21 = arith.constant 0 : index
    %get3A_22 = arith.constant 0 : index
    %get3A_23 = vector.load %arg4[%get3A_21, %get3A_22] : memref<128x128xf32, #tpu.memory_space<vmem>>, vector<128x128xf32>
    %dot_general3A = arith.constant dense<0.000000e+00> : vector<1024x128xf32>
    %dot_general3A_24 = tpu.matmul %div3A_20, %get3A_23, %dot_general3A {dimension_numbers = #tpu.dot_dimension_numbers<[1], [1], [0], [0], [0, 0, 1, 0], [], []>, transpose_lhs_hint = false} : vector<1024x128xf32>, vector<128x128xf32>, vector<1024x128xf32> -> vector<1024x128xf32>
    %get3A_25 = arith.constant 0 : index
    %get3A_26 = arith.constant 0 : index
    %get3A_27 = vector.load %arg1[%get3A_25, %get3A_26] : memref<1024x128xf32, #tpu.memory_space<vmem>>, vector<1024x128xf32>
    %get3A_28 = arith.constant 0 : index
    %get3A_29 = arith.constant 0 : index
    %get3A_30 = vector.load %arg6[%get3A_28, %get3A_29] : memref<128x128xf32, #tpu.memory_space<vmem>>, vector<128x128xf32>
    %dot_general3A_31 = arith.constant dense<0.000000e+00> : vector<1024x128xf32>
    %dot_general3A_32 = tpu.matmul %get3A_27, %get3A_30, %dot_general3A_31 {dimension_numbers = #tpu.dot_dimension_numbers<[1], [1], [0], [0], [0, 0, 1, 0], [], []>, transpose_lhs_hint = false} : vector<1024x128xf32>, vector<128x128xf32>, vector<1024x128xf32> -> vector<1024x128xf32>
    %add3A_33 = arith.addf %dot_general3A_24, %dot_general3A_32 : vector<1024x128xf32>
    %get3A_34 = arith.constant 0 : index
    %get3A_35 = arith.constant 0 : index
    %get3A_36 = vector.load %arg5[%get3A_34, %get3A_35] : memref<1x128xf32, #tpu.memory_space<vmem>>, vector<1x128xf32>
    %add3A_37 = vector.broadcast %get3A_36 : vector<1x128xf32> to vector<1024x128xf32>
    %add3A_38 = arith.addf %add3A_33, %add3A_37 : vector<1024x128xf32>
    %get3A_39 = arith.constant 0 : index
    %get3A_40 = arith.constant 0 : index
    %get3A_41 = vector.load %arg1[%get3A_39, %get3A_40] : memref<1024x128xf32, #tpu.memory_space<vmem>>, vector<1024x128xf32>
    %max3A_42 = arith.constant 0.000000e+00 : f32
    %max3A_43 = vector.broadcast %max3A_42 : f32 to vector<1024x128xf32>
    %max3A_44 = arith.maximumf %add3A_38, %max3A_43 : vector<1024x128xf32>
    %add3A_45 = arith.addf %get3A_41, %max3A_44 : vector<1024x128xf32>
    %swap3A = arith.constant 0 : index
    %swap3A_46 = arith.constant 0 : index
    %swap3A_47 = vector.load %arg7[%swap3A, %swap3A_46] : memref<1024x128xf32, #tpu.memory_space<vmem>>, vector<1024x128xf32>
    tpu.vector_store %arg7[%swap3A, %swap3A_46], %add3A_45 {strides = array<i32>} : memref<1024x128xf32, #tpu.memory_space<vmem>>, vector<1024x128xf32>,
    return
  }
  func.func @transform_0(%arg0: i32) -> (i32, i32) {
    %c0_i32 = arith.constant 0 : i32
    %c0_i32_0 = arith.constant 0 : i32
    return %arg0, %c0_i32 : i32, i32
  }
  func.func @transform_1(%arg0: i32) -> (i32, i32, i32) {
    %c0_i32 = arith.constant 0 : i32
    %c0_i32_0 = arith.constant 0 : i32
    %c0_i32_1 = arith.constant 0 : i32
    return %c0_i32, %arg0, %c0_i32_0 : i32, i32, i32
  }
  func.func @transform_2(%arg0: i32) -> (i32, i32) {
    %c0_i32 = arith.constant 0 : i32
    %c0_i32_0 = arith.constant 0 : i32
    return %c0_i32, %arg0 : i32, i32
  }
  func.func @transform_3(%arg0: i32) -> (i32, i32) {
    %c0_i32 = arith.constant 0 : i32
    %c0_i32_0 = arith.constant 0 : i32
    %c0_i32_1 = arith.constant 0 : i32
    return %c0_i32, %c0_i32_0 : i32, i32
  }
  func.func @transform_4(%arg0: i32) -> (i32, i32) {
    %c0_i32 = arith.constant 0 : i32
    %c0_i32_0 = arith.constant 0 : i32
    %c0_i32_1 = arith.constant 0 : i32
    return %c0_i32, %c0_i32_0 : i32, i32
  }
  func.func @transform_5(%arg0: i32) -> (i32, i32) {
    %c0_i32 = arith.constant 0 : i32
    %c0_i32_0 = arith.constant 0 : i32
    %c0_i32_1 = arith.constant 0 : i32
    return %c0_i32, %c0_i32_0 : i32, i32
  }
  func.func @transform_6(%arg0: i32) -> (i32, i32) {
    %c0_i32 = arith.constant 0 : i32
    %c0_i32_0 = arith.constant 0 : i32
    return %arg0, %c0_i32 : i32, i32
  }
}

</mosaic_0001>

<sc_bundles>
// kernel: kernel.4.cloned.1.call-start
scs
__scs_entry_jumppad:
0x0: {  	(pc) =	sbr.rel $0x88, $3  }
0x1: {  	(tag) =	ssettag $0x0;
	lr =	simm.s32 $0x1  }
0x2: {  	[smem:$0x3F9C] =	sst lr;
	_ =	strace $0xD0000000  }
0x3: {  	_ = 	snop  }
0x4: {  	_ = 	snop  }
0x5: {  	_ = 	snop  }
0x6: {  	_ = 	snop  }
0x7: {  	_ = 	snop  }
__scs_overlays_trampoline_lowered:
0x8: {  	[smem:$0x3FAB] =	sst s0  }
0x9: {  	[smem:$0x3FAC] =	sst s1  }
0xa: {  	[smem:$0x3FAD] =	sst s2  }
0xb: {  	[smem:$0x3FAE] =	sst s3  }
0xc: {  	[smem:$0x3FAF] =	sst s4  }
0xd: {  	[smem:$0x3FB0] =	sst s5  }
0xe: {  	[smem:$0x3FB1] =	sst s6  }
0xf: {  	[smem:$0x3FB2] =	sst s7  }
0x10: {  	[smem:$0x3FB3] =	sst s8  }
0x11: {  	[smem:$0x3FB4] =	sst s9;
	s0 =	simm.s32 @!p0 $0x0  }
0x12: {  	s1 =	sld [smem:$0x3F9A];
	s0 =	simm.s32 @p0 $0x1  }
0x13: {  	[smem:$0x3FB5] =	sst s0;
	s0 =	simm.s32 @!p1 $0x0  }
0x14: {  	s2 =	sld [smem:$0x3F99];
	s0 =	simm.s32 @p1 $0x1  }
0x15: {  	[smem:$0x3FB6] =	sst s0;
	s0 =	simm.s32 @!p2 $0x0  }
0x16: {  	s3 =	sld [smem:$0x3FDB];
	s0 =	simm.s32 @p2 $0x1  }
0x17: {  	s4 =	simm.s32 $0x1BF5;
	[smem:$0x3FB8] =	sst s0  }
0x18: {  	s0 =	sld [smem:$0x3F9B];
	_ =	swait.ge [sflag:s4], $0x0  }
0x19: {  	s7 =	sld [smem:$0x3F9C]  }
0x1a: {  	s8 =	sadd.s32 $0xFFFFE003, lr  }
0x1b: {  	s9 =	sadd.s32 $0xFFFFFEF7, lr;
	s5 =	simm.s32 $0xFFFFFFFF;
	p2 =	slt.u32 s8, $0xFFFFF086  }
0x1c: {  	p1 =	slt.u32 s9, $0xF7A;
	s5 =	simm.s32 @!p2 $0x0  }
0x1d: {  	s5 =	simm.s32 @p1 $0x1;
	p0 =	seq.s32 s7, s2  }
0x1e: {  	s7 =	smul.u32 @!p0 $0xF7A, s2;
	p2 =	seq.s32 @!p0 s5, $0x0  }
0x1f: {  	s9 =	smul.u32 $0xF7A, s1;
	s8 =	simm.s32 @!p0 $0x1BF5;
	p2 =	por !p2, p0  }
0x20: {  	[sflag:s8] =	ssyncset.s32 @!p0 $0xFFFFF086;
	s6 =	sadd.s32 @!p0 s3, s7;
	s7 =	simm.s32 @!p0 $0x108  }
0x21: {  	s3 =	sadd.s32 s3, s9;
	s6 =	sadd.s32 @!p0 $0x88, s6;
	s7 =	simm.s32 @p2 $0x1082  }
0x22: {  	[simem:s7], [sflag:s8] =	dma.local @!p0 [hbm:s6], $0xF7A  }
0x23: {  	s9 =	sor.u32 $0xD0000000, s2;
	s6 =	simm.s32 $0x108;
	_ =	swait.ge @!p0 [sflag:s8], $0x0  }
0x24: {  	s3 =	sadd.s32 $0x88, s3;
	s6 =	simm.s32 @!p1 $0x1082;
	[sflag:s4] =	ssyncset.s32 $0xFFFFF086  }
0x25: {  	[simem:s6], [sflag:s4] =	dma.local [hbm:s3], $0xF7A  }
0x26: {  	[smem:$0x3F9C] =	sst s1;
	(tag) =	ssettag s2;
	_ =	strace s9  }
0x27: {  	s1 =	sld [smem:$0x3FAC]  }
0x28: {  	s2 =	sld [smem:$0x3FAD]  }
0x29: {  	s4 =	sld [smem:$0x3FAF]  }
0x2a: {  	p0 =	seq.s32 s5, $0x0;
	s5 =	sld [smem:$0x3FB0]  }
0x2b: {  	s6 =	sld [smem:$0x3FB1]  }
0x2c: {  	s7 =	sld [smem:$0x3FB2]  }
0x2d: {  	s3 =	simm.s32 $0x108;
	s8 =	sld [smem:$0x3FB3]  }
0x2e: {  	s3 =	simm.s32 @!p0 $0x1082;
	s9 =	sld [smem:$0x3FB4]  }
0x2f: {  	lr =	sadd.s32 s0, s3;
	s0 =	sld [smem:$0x3FAB]  }
0x30: {  	s3 =	sld [smem:$0x3FAE]  }
0x31: {  	[smem:$0x3FB7] =	sst s10  }
0x32: {  	s10 =	sld [smem:$0x3FB5];
	_ =	sdelay $0x3  }
0x33: {  	p0 =	seq.s32 s10, $0x1;
	s10 =	sld [smem:$0x3FB7];
	_ =	sdelay $0x3  }
0x34: {  	[smem:$0x3FB7] =	sst s10  }
0x35: {  	s10 =	sld [smem:$0x3FB6];
	_ =	sdelay $0x3  }
0x36: {  	p1 =	seq.s32 s10, $0x1;
	s10 =	sld [smem:$0x3FB7];
	_ =	sdelay $0x3  }
0x37: {  	[smem:$0x3FB7] =	sst s10  }
0x38: {  	s10 =	sld [smem:$0x3FB8]  }
0x39: {  	_ = 	snop;
	(pc) =	sbr.ind lr, $3  }
0x3a: {  	_ = 	snop  }
0x3b: {  	_ = 	snop  }
0x3c: {  	p2 =	seq.s32 s10, $0x1;
	s10 =	sld [smem:$0x3FB7]  }
0x3d: {  	_ =	shalt  }
0x3e: {  	_ =	shalt  }
0x3f: {  	_ =	shalt  }
0x40: {  	_ =	shalt  }
0x41: {  	_ =	shalt  }
0x42: {  	_ =	shalt  }
0x43: {  	_ =	shalt  }
0x44: {  	_ =	shalt  }
0x45: {  	_ =	shalt  }
0x46: {  	_ =	shalt  }
0x47: {  	_ =	shalt  }
0x48: {  	_ =	shalt  }
0x49: {  	_ =	shalt  }
0x4a: {  	_ =	shalt  }
0x4b: {  	_ =	shalt  }
0x4c: {  	_ =	shalt  }
0x4d: {  	_ =	shalt  }
0x4e: {  	_ =	shalt  }
0x4f: {  	_ =	shalt  }
0x50: {  	_ =	shalt  }
0x51: {  	_ =	shalt  }
0x52: {  	_ =	shalt  }
0x53: {  	_ =	shalt  }
0x54: {  	_ =	shalt  }
0x55: {  	_ =	shalt  }
0x56: {  	_ =	shalt  }
0x57: {  	_ =	shalt  }
0x58: {  	_ =	shalt  }
0x59: {  	_ =	shalt  }
0x5a: {  	_ =	shalt  }
0x5b: {  	_ =	shalt  }
0x5c: {  	_ =	shalt  }
0x5d: {  	_ =	shalt  }
0x5e: {  	_ =	shalt  }
0x5f: {  	_ =	shalt  }
0x60: {  	_ =	shalt  }
0x61: {  	_ =	shalt  }
0x62: {  	_ =	shalt  }
0x63: {  	_ =	shalt  }
0x64: {  	_ =	shalt  }
0x65: {  	_ =	shalt  }
0x66: {  	_ =	shalt  }
0x67: {  	_ =	shalt  }
0x68: {  	_ =	shalt  }
0x69: {  	_ =	shalt  }
0x6a: {  	_ =	shalt  }
0x6b: {  	_ =	shalt  }
0x6c: {  	_ =	shalt  }
0x6d: {  	_ =	shalt  }
0x6e: {  	_ =	shalt  }
0x6f: {  	_ =	shalt  }
0x70: {  	_ =	shalt  }
0x71: {  	_ =	shalt  }
0x72: {  	_ =	shalt  }
0x73: {  	_ =	shalt  }
0x74: {  	_ =	shalt  }
0x75: {  	_ =	shalt  }
0x76: {  	_ =	shalt  }
0x77: {  	_ =	shalt  }
0x78: {  	_ =	shalt  }
0x79: {  	_ =	shalt  }
0x7a: {  	_ =	shalt  }
0x7b: {  	_ =	shalt  }
0x7c: {  	_ =	shalt  }
0x7d: {  	_ =	shalt  }
0x7e: {  	_ =	shalt  }
0x7f: {  	_ =	shalt  }
0x80: {  	_ =	shalt  }
0x81: {  	_ =	shalt  }
0x82: {  	_ =	shalt  }
0x83: {  	_ =	shalt  }
0x84: {  	_ =	shalt  }
0x85: {  	_ =	shalt  }
0x86: {  	_ =	shalt  }
0x87: {  	_ =	shalt  }
.Lfunc_end0:
.L_simem_size_0:
called_computation_lowered:
.L_overlay_start_0:
0x88: {  	s2 =	sld [smem:$0x3FD9]  }
0x89: {  	s3 =	sld [smem:$0x3FFE];
	_ =	sdelay $0x1  }
0x8a: {  	s1 =	srdreg.scid  }
0x8b: {  	s0 =	sand.u32 $0x1, s1  }
0x8c: {  	s17 =	sshll.u32 s0, $0xA;
	s2 =	sadd.s32 s3, s2  }
0x8d: {  	s2 =	sadd.s32 s2, s17  }
0x8e: {  	[smem:$0x3FC3] =	sst s2  }
0x8f: {  	_ = 	snop  }
0x90: {  	s2 =	sld [smem:$0x3FC9]  }
0x91: {  	s18 =	sld [smem:$0x3FD0];
	(tm) =	ssettm $0x1  }
0x92: {  	s4 =	sld [smem:$0x3FFB];
	_ =	sdelay $0x3  }
0x93: {  	_ =	strace s4  }
0x94: {  	s4 =	sld [smem:$0x3FFC];
	_ =	sdelay $0x3  }
0x95: {  	_ =	strace s4  }
0x96: {  	s4 =	sld [smem:$0x3FFD];
	_ =	sdelay $0x3  }
0x97: {  	_ =	strace s4  }
0x98: {  	_ =	strace $0x8FFFFFFF  }
0x99: {  	s19 =	sld [smem:$0x3FDB];
	_ =	sdelay $0x1  }
0x9a: {  	s5 =	simm.s32 $_scs_section_size  }
0x9b: {  	s6 =	simm.s32 $_size__tile_overlayer_lowered;
	s7 =	simm.s32 $_tile_overlayer_lowered  }
0x9c: {  	s22 =	simm.s32 $0x1BFF;
	s21 =	sshll.u32 s7, $0x1;
	s4 =	sadd.s32 s5, s19  }
0x9d: {  	s8 =	simm.s32 $0x0;
	s20 =	sshll.u32 s6, $0x1;
	s6 =	sadd.s32 s21, s4  }
0x9e: {  	[timem:s8], [sflag:s22] =	dma.local [hbm:s6], s20  }
0x9f: {  	_ =	swait.ge [sflag:s22], s20  }
0xa0: {  	s5 =	ssub.s32 $0x0, s20;
	[sflag:s22] =	ssyncset.done $0x0  }
0xa1: {  	[sflag:s22] =	ssyncadd.s32 s5;
	_ =	sdelay $0x1  }
0xa2: {  	s23 =	simm.s32 $0x1B8B  }
0xa3: {  	_ =	swait.ge [sflag:s23], $0x1  }
0xa4: {  	[sflag:s23] =	ssyncset.done $0x0  }
0xa5: {  	s25 =	simm.s32 $0x1B8E;
	s24 =	sld [smem:$0x3FFE];
	[sflag:s23] =	ssyncadd.s32 $0xFFFFFFFF  }
0xa6: {  	s26 =	simm.s32 $execute0_lowered;
	[smem:$0x3FD2] =	sst s25  }
0xa7: {  	s6 =	sshll.u32 s26, $0x1;
	_ =	strace $0x80000046;
	[dreg:$0x1] =	wrdreg $0xFFFFFFFF  }
0xa8: {  	s28 =	simm.s32 $_size_execute0_lowered;
	s4 =	sadd.s32 s4, s6;
	[dreg:$0x0] =	wrdreg $0x0  }
0xa9: {  	s6 =	sshll.u32 s28, $0x1;
	[dreg:$0x2] =	wrdreg s4  }
0xaa: {  	[dreg:$0x3] =	wrdreg s6  }
0xab: {  	[dreg:$0x4] =	wrdreg $0xC0  }
0xac: {  	_ =	task [dreg:s8], $0x5FFFF  }
0xad: {  	[dreg:$0x1] =	wrdreg $0xFFFFFFFF  }
0xae: {  	[dreg:$0x0] =	wrdreg $0x60  }
0xaf: {  	[dreg:$0x2] =	wrdreg s2  }
0xb0: {  	[dreg:$0x3] =	wrdreg s18  }
0xb1: {  	[dreg:$0x4] =	wrdreg s24  }
0xb2: {  	[dreg:$0x5] =	wrdreg $0xAA800  }
0xb3: {  	[dreg:$0x6] =	wrdreg $0x1EA800  }
0xb4: {  	[dreg:$0x7] =	wrdreg $0x9  }
0xb5: {  	_ =	task.clear_ibuf [dreg:s8], $0x8FFFF;
	_ =	strace $0x90000046  }
0xb6: {  	s29 =	simm.s32 $0x9;
	_ =	strace $0x80000048  }
0xb7: {  	_ =	swait.ge [sflag:s29], $0x1  }
0xb8: {  	[sflag:s29] =	ssyncadd.s32 $0xFFFFFFFF  }
0xb9: {  	_ =	strace $0x90000048  }
0xba: {  	_ =	sfence  }
0xbb: {  	s30 =	sld [smem:$0x0];
	_ =	sdelay $0x2  }
0xbc: {  	s31 =	sshll.u32 s1, $0xD;
	s1 =	sshrl.u32 s1, $0x2  }
0xbd: {  	s3 =	sand.u32 $0x4000, s31;
	s1 =	sadd.s32 s1, s30  }
0xbe: {  	s0 =	sor.u32 s3, s0;
	s1 =	sshll.u32 s1, $0x11  }
0xbf: {  	s0 =	sor.u32 s1, s0  }
0xc0: {  	s0 =	sadd.s32 $0x8F2B, s0  }
0xc1: {  	[sflag:s0] =	ssyncadd.remote.s32 $0x1  }
0xc2: {  	_ =	sfence.sel $0xFFFF  }
0xc3: {  	[dreg:$0x0] =	wrdreg $0xFFFFFFFF;
	(pc) =	sbr.abs _section_cstart, $3  }
0xc4: {  	[dreg:$0x1] =	wrdreg $0xFFFFFFFF  }
0xc5: {  	_ =	task.clear_ibuf [dreg:s8], $0x2FFFF;
	_ =	strace $0x9FFFFFFF  }
0xc6: {  	(tm) =	ssettm $0x7FFFFFFF  }
0xc7: {  	_ =	shalt  }
tec
execute0_lowered:
.L_overlay_start_1:
0x0: {  	(tag) =	ssettag $0x1  }
0x1: {  	s0 =	rddreg [dreg:$0x0]  }
0x2: {  	s9 =	rddreg [dreg:$0x1]  }
0x3: {  	s8 =	rddreg [dreg:$0x2]  }
0x4: {  	s1 =	rddreg [dreg:$0x3]  }
0x5: {  	s2 =	srdreg.scid;
	s3 =	rddreg [dreg:$0x4]  }
0x6: {  	s13 =	stileid.u32;
	s4 =	simm.s32 $0x0;
	s17 =	simm.s32 $0x80  }
0x7: {  	s18 =	simm.s32 $0x2800;
	s19 =	simm.s32 $0x2A00;
	s20 =	simm.s32 $0x2880  }
0x8: {  	s21 =	simm.s32 $0x6A00;
	s22 =	simm.s32 $0x1;
	s23 =	simm.s32 $0x2900  }
0x9: {  	s24 =	simm.s32 $0x2;
	s25 =	simm.s32 $0x2980;
	s26 =	simm.s32 $0x0  }
0xa: {  	s10 =	sand.u32 $0x1, s2;
	s2 =	rddreg [dreg:$0x5];
	s6 =	smul.u32 $0x14000, s13  }
0xb: {  	[smem:$0x7FF] =	sst s4;
	s15 =	smul.u32 $0x50000, s13;
	s31 =	sshll.u32 s13, $0x6  }
0xc: {  	p0 =	sne.s32 s13, $0x0;
	s5 =	smul.u32 $0x140000, s10;
	s12 =	sshll.u32 s10, $0x4  }
0xd: {  	_ =	strace $0x80000047;
	s10 =	ssub.s32 $0x2, s10;
	s14 =	sor.u32 s13, s12  }
0xe: {  	s12 =	sadd.s32 s12, s8;
	s29 =	sshrl.u32 s10, $0x1;
	s30 =	sshrl.u32 s15, $0x2  }
0xf: {  	s7 =	sadd.s32 s6, s5;
	s5 =	sadd.s32 $0x1A00, s8;
	s6 =	sadd.s32 $0x1400, s8  }
0x10: {  	s14 =	smul.u32 $0x500, s14;
	s16 =	ssub.s32 s10, s29;
	s15 =	sadd.s32 s30, s1  }
0x11: {  	s11 =	sshrl.u32 s7, $0x3;
	s7 =	sadd.s32 $0x1200, s8;
	s13 =	sshrl.u32 s15, $0x3  }
0x12: {  	s15 =	sshrl.u32 @!p0 s3, $0x3;
	s11 =	sadd.s32 s11, s8;
	s8 =	sor.u32 $0x1C03, s31  }
0x13: {  	s9 =	sadd.s32 s9, s14;
	s14 =	simm.s32 $0x3;
	s10 =	sadd.s32 $0x4200, s11  }
0x14: {  	s11 =	sadd.s32 $0x54200, s12;
	s12 =	smax.u32 s16, $0x1;
	s16 =	simm.s32 $0xAA00  }
.LBB2_1:
0x15: {  	[spmem:s13], [sflag:s8] =	dma.local [hbm:s5], $0x2800  }
0x16: {  	_ =	swait.ge [sflag:s14], $0x2800  }
0x17: {  	[sflag:s14] =	ssyncset.done $0x0  }
0x18: {  	s28 =	simm.s32 @!p0 $0x3;
	[sflag:s14] =	ssyncadd.s32 $0xFFFFD800  }
0x19: {  	[spmem:s15], [sflag:s8] =	dma.local @!p0 [hbm:s6], $0x500  }
0x1a: {  	_ =	swait.ge @!p0 [sflag:s28], $0x500  }
0x1b: {  	[sflag:s28] =	ssyncset.done @!p0 $0x0  }
0x1c: {  	[sflag:s28] =	ssyncadd.s32 @!p0 $0xFFFFFB00  }
0x1d: {  	[tilespmem:s4], [sflag:$0x3] =	stream.linear.gather [hbm4b:s9+s4], $0x2800, $0x38;
	[tilespmem:$0x1ED00] =	vst v63  }
0x1e: {  	_ =	swait.ge [sflag:s14], $0x2800  }
0x1f: {  	[sflag:s14] =	ssyncset.done $0x0  }
0x20: {  	[sflag:s14] =	ssyncadd.s32 $0xFFFFD800  }
0x21: {  	[tilespmem:s16], [sflag:$0x3] =	stream.linear.gather [hbm4b:s7+s4], $0x80, $0x38;
	[tilespmem:$0x1ED00] =	vst v63  }
0x22: {  	_ =	swait.ge [sflag:s14], $0x80  }
0x23: {  	[sflag:s14] =	ssyncset.done $0x0  }
0x24: {  	[sflag:s14] =	ssyncadd.s32 $0xFFFFFF80  }
0x25: {  	s28 =	simm.s32 $0x0;
	[bflag:$0x0] =	sbarrier.arrive $0xFFFF  }
0x26: {  	v0 =	vld [tilespmem:s28+$0x0];
	_ =	sdelay $0x4  }
0x27: {  	v1 =	vand.u32 $0xFFFF, v0  }
0x28: {  	v0 =	vshrl.u32 v0, $0x10;
	[tilespmem:$0x2800] =	vst v1  }
0x29: {  	[tilespmem:$0x2900] =	vst v0  }
0x2a: {  	v0 =	vld [tilespmem:s28+$0x10];
	_ =	sdelay $0x4  }
0x2b: {  	v49 =	vand.u32 $0xFFFF, v0  }
0x2c: {  	v0 =	vshrl.u32 v0, $0x10;
	[tilespmem:$0x2810] =	vst v49  }
0x2d: {  	[tilespmem:$0x2910] =	vst v0  }
0x2e: {  	v0 =	vld [tilespmem:s28+$0x20];
	_ =	sdelay $0x4  }
0x2f: {  	v50 =	vand.u32 $0xFFFF, v0  }
0x30: {  	v0 =	vshrl.u32 v0, $0x10;
	[tilespmem:$0x2820] =	vst v50  }
0x31: {  	[tilespmem:$0x2920] =	vst v0  }
0x32: {  	v0 =	vld [tilespmem:s28+$0x30];
	_ =	sdelay $0x4  }
0x33: {  	v51 =	vand.u32 $0xFFFF, v0  }
0x34: {  	v0 =	vshrl.u32 v0, $0x10;
	[tilespmem:$0x2830] =	vst v51  }
0x35: {  	[tilespmem:$0x2930] =	vst v0  }
0x36: {  	v0 =	vld [tilespmem:s28+$0x40];
	_ =	sdelay $0x4  }
0x37: {  	v52 =	vand.u32 $0xFFFF, v0  }
0x38: {  	v0 =	vshrl.u32 v0, $0x10;
	[tilespmem:$0x2840] =	vst v52  }
0x39: {  	[tilespmem:$0x2940] =	vst v0  }
0x3a: {  	v0 =	vld [tilespmem:s28+$0x50];
	_ =	sdelay $0x4  }
0x3b: {  	v53 =	vand.u32 $0xFFFF, v0  }
0x3c: {  	v0 =	vshrl.u32 v0, $0x10;
	[tilespmem:$0x2850] =	vst v53  }
0x3d: {  	[tilespmem:$0x2950] =	vst v0  }
0x3e: {  	v0 =	vld [tilespmem:s28+$0x60];
	_ =	sdelay $0x4  }
0x3f: {  	v54 =	vand.u32 $0xFFFF, v0  }
0x40: {  	v0 =	vshrl.u32 v0, $0x10;
	[tilespmem:$0x2860] =	vst v54  }
0x41: {  	[tilespmem:$0x2960] =	vst v0  }
0x42: {  	v0 =	vld [tilespmem:s28+$0x70];
	_ =	sdelay $0x4  }
0x43: {  	v55 =	vand.u32 $0xFFFF, v0  }
0x44: {  	v0 =	vshrl.u32 v0, $0x10;
	[tilespmem:$0x2870] =	vst v55  }
0x45: {  	[tilespmem:$0x2970] =	vst v0  }
0x46: {  	v0 =	vld [tilespmem:s28+$0x80];
	_ =	sdelay $0x4  }
0x47: {  	v56 =	vand.u32 $0xFFFF, v0  }
0x48: {  	v0 =	vshrl.u32 v0, $0x10;
	[tilespmem:$0x2880] =	vst v56  }
0x49: {  	[tilespmem:$0x2980] =	vst v0  }
0x4a: {  	v0 =	vld [tilespmem:s28+$0x90];
	_ =	sdelay $0x4  }
0x4b: {  	v57 =	vand.u32 $0xFFFF, v0  }
0x4c: {  	v0 =	vshrl.u32 v0, $0x10;
	[tilespmem:$0x2890] =	vst v57  }
0x4d: {  	[tilespmem:$0x2990] =	vst v0  }
0x4e: {  	v0 =	vld [tilespmem:s28+$0xA0];
	_ =	sdelay $0x4  }
0x4f: {  	v58 =	vand.u32 $0xFFFF, v0  }
0x50: {  	v0 =	vshrl.u32 v0, $0x10;
	[tilespmem:$0x28A0] =	vst v58  }
0x51: {  	[tilespmem:$0x29A0] =	vst v0  }
0x52: {  	v0 =	vld [tilespmem:s28+$0xB0];
	_ =	sdelay $0x4  }
0x53: {  	v59 =	vand.u32 $0xFFFF, v0  }
0x54: {  	v0 =	vshrl.u32 v0, $0x10;
	[tilespmem:$0x28B0] =	vst v59  }
0x55: {  	[tilespmem:$0x29B0] =	vst v0  }
0x56: {  	v0 =	vld [tilespmem:s28+$0xC0];
	_ =	sdelay $0x4  }
0x57: {  	v60 =	vand.u32 $0xFFFF, v0  }
0x58: {  	v0 =	vshrl.u32 v0, $0x10;
	[tilespmem:$0x28C0] =	vst v60  }
0x59: {  	[tilespmem:$0x29C0] =	vst v0  }
0x5a: {  	v0 =	vld [tilespmem:s28+$0xD0];
	_ =	sdelay $0x4  }
0x5b: {  	v61 =	vand.u32 $0xFFFF, v0  }
0x5c: {  	v0 =	vshrl.u32 v0, $0x10;
	[tilespmem:$0x28D0] =	vst v61  }
0x5d: {  	[tilespmem:$0x29D0] =	vst v0  }
0x5e: {  	v0 =	vld [tilespmem:s28+$0xE0];
	_ =	sdelay $0x4  }
0x5f: {  	v62 =	vand.u32 $0xFFFF, v0  }
0x60: {  	v0 =	vshrl.u32 v0, $0x10;
	[tilespmem:$0x28E0] =	vst v62  }
0x61: {  	[tilespmem:$0x29E0] =	vst v0  }
0x62: {  	v0 =	vld [tilespmem:s28+$0xF0];
	_ =	sdelay $0x4  }
0x63: {  	v63 =	vand.u32 $0xFFFF, v0  }
0x64: {  	v0 =	vshrl.u32 v0, $0x10;
	[tilespmem:$0x28F0] =	vst v63  }
0x65: {  	[tilespmem:$0x29F0] =	vst v0  }
0x66: {  	[tilespmem:s19], [sflag:$0x1] =	stream.indirect.gather [hbm4b:s0+s17], $0x80, s18, s17, $0xb8;
	[tilespmem:$0x1ED00] =	vst v63  }
0x67: {  	_ = 	snop  }
0x68: {  	[tilespmem:s21], [sflag:$0x2] =	stream.indirect.gather [hbm4b:s0+s17], $0x80, s20, s17, $0xb8;
	[tilespmem:$0x1ED00] =	vst v63  }
0x69: {  	_ =	swait.ge [sflag:s22], $0x4000  }
0x6a: {  	[sflag:s22] =	ssyncset.done $0x0  }
0x6b: {  	[sflag:s22] =	ssyncadd.s32 $0xFFFFC000  }
0x6c: {  	[spmem:s1] =	stream.indirect.scatter.add.f32 [tilespmem:s19], [sflag:$0x3], $0x80, s23, s17, $0xb8;
	[tilespmem:$0x1ED00] =	vst v63  }
0x6d: {  	s28 =	simm.s32 $0x400;
	_ =	swait.ge [sflag:s14], $0x4000  }
.LBB2_2:
0x6e: {  	p1 =	sne.s32 s28, $0x9C00  }
0x6f: {  	[sflag:s14] =	ssyncset.done $0x0;
	s29 =	smov.u32 s28;
	s28 =	sadd.s32 $0x400, s28  }
0x70: {  	[sflag:s14] =	ssyncadd.s32 $0xFFFFC000  }
0x71: {  	[spmem:s3] =	stream.indirect.scatter.add.f32 [tilespmem:s16], [sflag:$0x3], $0x1, s23, s17, $0xb8;
	[tilespmem:$0x1ED00] =	vst v63  }
0x72: {  	_ =	swait.ge [sflag:s14], $0x80  }
0x73: {  	[sflag:s14] =	ssyncset.done $0x0  }
0x74: {  	[sflag:s14] =	ssyncadd.s32 $0xFFFFFF80  }
0x75: {  	_ =	swait.ge [sflag:s24], $0x4000  }
0x76: {  	[sflag:s24] =	ssyncset.done $0x0  }
0x77: {  	[sflag:s24] =	ssyncadd.s32 $0xFFFFC000  }
0x78: {  	[spmem:s1] =	stream.indirect.scatter.add.f32 [tilespmem:s21], [sflag:$0x3], $0x80, s25, s17, $0xb8;
	[tilespmem:$0x1ED00] =	vst v63  }
0x79: {  	_ =	swait.ge [sflag:s14], $0x4000  }
0x7a: {  	[sflag:s14] =	ssyncset.done $0x0  }
0x7b: {  	[sflag:s14] =	ssyncadd.s32 $0xFFFFC000  }
0x7c: {  	[spmem:s3] =	stream.indirect.scatter.add.f32 [tilespmem:s16], [sflag:$0x3], $0x1, s25, s17, $0xb8;
	[tilespmem:$0x1ED00] =	vst v63  }
0x7d: {  	_ =	swait.ge [sflag:s14], $0x80  }
0x7e: {  	[sflag:s14] =	ssyncset.done $0x0  }
0x7f: {  	s29 =	sshra.s32 s29, $0x2;
	[sflag:s14] =	ssyncadd.s32 $0xFFFFFF80  }
0x80: {  	v0 =	vld [tilespmem:s29+$0x0];
	_ =	sdelay $0x4  }
0x81: {  	v1 =	vand.u32 $0xFFFF, v0;
	v0 =	vshrl.u32 v0, $0x10  }
0x82: {  	[tilespmem:$0x2800] =	vst v1  }
0x83: {  	[tilespmem:$0x2900] =	vst v0  }
0x84: {  	v0 =	vld [tilespmem:s29+$0x10];
	_ =	sdelay $0x4  }
0x85: {  	v1 =	vand.u32 $0xFFFF, v0;
	v0 =	vshrl.u32 v0, $0x10  }
0x86: {  	[tilespmem:$0x2810] =	vst v1  }
0x87: {  	[tilespmem:$0x2910] =	vst v0  }
0x88: {  	v0 =	vld [tilespmem:s29+$0x20];
	_ =	sdelay $0x4  }
0x89: {  	v1 =	vand.u32 $0xFFFF, v0;
	v0 =	vshrl.u32 v0, $0x10  }
0x8a: {  	[tilespmem:$0x2820] =	vst v1  }
0x8b: {  	[tilespmem:$0x2920] =	vst v0  }
0x8c: {  	v0 =	vld [tilespmem:s29+$0x30];
	_ =	sdelay $0x4  }
0x8d: {  	v1 =	vand.u32 $0xFFFF, v0;
	v0 =	vshrl.u32 v0, $0x10  }
0x8e: {  	[tilespmem:$0x2830] =	vst v1  }
0x8f: {  	[tilespmem:$0x2930] =	vst v0  }
0x90: {  	v0 =	vld [tilespmem:s29+$0x40];
	_ =	sdelay $0x4  }
0x91: {  	v1 =	vand.u32 $0xFFFF, v0;
	v0 =	vshrl.u32 v0, $0x10  }
0x92: {  	[tilespmem:$0x2840] =	vst v1  }
0x93: {  	[tilespmem:$0x2940] =	vst v0  }
0x94: {  	v0 =	vld [tilespmem:s29+$0x50];
	_ =	sdelay $0x4  }
0x95: {  	v1 =	vand.u32 $0xFFFF, v0;
	v0 =	vshrl.u32 v0, $0x10  }
0x96: {  	[tilespmem:$0x2850] =	vst v1  }
0x97: {  	[tilespmem:$0x2950] =	vst v0  }
0x98: {  	v0 =	vld [tilespmem:s29+$0x60];
	_ =	sdelay $0x4  }
0x99: {  	v1 =	vand.u32 $0xFFFF, v0;
	v0 =	vshrl.u32 v0, $0x10  }
0x9a: {  	[tilespmem:$0x2860] =	vst v1  }
0x9b: {  	[tilespmem:$0x2960] =	vst v0  }
0x9c: {  	v0 =	vld [tilespmem:s29+$0x70];
	_ =	sdelay $0x4  }
0x9d: {  	v1 =	vand.u32 $0xFFFF, v0;
	v0 =	vshrl.u32 v0, $0x10  }
0x9e: {  	[tilespmem:$0x2870] =	vst v1  }
0x9f: {  	[tilespmem:$0x2970] =	vst v0  }
0xa0: {  	v0 =	vld [tilespmem:s29+$0x80];
	_ =	sdelay $0x4  }
0xa1: {  	v1 =	vand.u32 $0xFFFF, v0;
	v0 =	vshrl.u32 v0, $0x10  }
0xa2: {  	[tilespmem:$0x2880] =	vst v1  }
0xa3: {  	[tilespmem:$0x2980] =	vst v0  }
0xa4: {  	v0 =	vld [tilespmem:s29+$0x90];
	_ =	sdelay $0x4  }
0xa5: {  	v1 =	vand.u32 $0xFFFF, v0;
	v0 =	vshrl.u32 v0, $0x10  }
0xa6: {  	[tilespmem:$0x2890] =	vst v1  }
0xa7: {  	[tilespmem:$0x2990] =	vst v0  }
0xa8: {  	v0 =	vld [tilespmem:s29+$0xA0];
	_ =	sdelay $0x4  }
0xa9: {  	v1 =	vand.u32 $0xFFFF, v0;
	v0 =	vshrl.u32 v0, $0x10  }
0xaa: {  	[tilespmem:$0x28A0] =	vst v1  }
0xab: {  	[tilespmem:$0x29A0] =	vst v0  }
0xac: {  	v0 =	vld [tilespmem:s29+$0xB0];
	_ =	sdelay $0x4  }
0xad: {  	v1 =	vand.u32 $0xFFFF, v0;
	v0 =	vshrl.u32 v0, $0x10  }
0xae: {  	[tilespmem:$0x28B0] =	vst v1  }
0xaf: {  	[tilespmem:$0x29B0] =	vst v0  }
0xb0: {  	v0 =	vld [tilespmem:s29+$0xC0];
	_ =	sdelay $0x4  }
0xb1: {  	v1 =	vand.u32 $0xFFFF, v0;
	v0 =	vshrl.u32 v0, $0x10  }
0xb2: {  	[tilespmem:$0x28C0] =	vst v1  }
0xb3: {  	[tilespmem:$0x29C0] =	vst v0  }
0xb4: {  	v0 =	vld [tilespmem:s29+$0xD0];
	_ =	sdelay $0x4  }
0xb5: {  	v1 =	vand.u32 $0xFFFF, v0;
	v0 =	vshrl.u32 v0, $0x10  }
0xb6: {  	[tilespmem:$0x28D0] =	vst v1  }
0xb7: {  	[tilespmem:$0x29D0] =	vst v0  }
0xb8: {  	v0 =	vld [tilespmem:s29+$0xE0];
	_ =	sdelay $0x4  }
0xb9: {  	v1 =	vand.u32 $0xFFFF, v0;
	v0 =	vshrl.u32 v0, $0x10  }
0xba: {  	[tilespmem:$0x28E0] =	vst v1  }
0xbb: {  	[tilespmem:$0x29E0] =	vst v0  }
0xbc: {  	v0 =	vld [tilespmem:s29+$0xF0];
	_ =	sdelay $0x4  }
0xbd: {  	v1 =	vand.u32 $0xFFFF, v0;
	v0 =	vshrl.u32 v0, $0x10  }
0xbe: {  	[tilespmem:$0x28F0] =	vst v1  }
0xbf: {  	[tilespmem:$0x29F0] =	vst v0  }
0xc0: {  	[tilespmem:s19], [sflag:$0x1] =	stream.indirect.gather [hbm4b:s0+s17], $0x80, s18, s17, $0xb8;
	[tilespmem:$0x1ED00] =	vst v63  }
0xc1: {  	_ = 	snop  }
0xc2: {  	[tilespmem:s21], [sflag:$0x2] =	stream.indirect.gather [hbm4b:s0+s17], $0x80, s20, s17, $0xb8;
	[tilespmem:$0x1ED00] =	vst v63  }
.Ltmp0:
0xc3: {  	_ =	swait.ge [sflag:s22], $0x4000;
	(pc) =	sbr.rel @p1 .LBB2_2-.Ltmp0, $4  }
0xc4: {  	[sflag:s22] =	ssyncset.done $0x0  }
0xc5: {  	[sflag:s22] =	ssyncadd.s32 $0xFFFFC000  }
0xc6: {  	[spmem:s1] =	stream.indirect.scatter.add.f32 [tilespmem:s19], [sflag:$0x3], $0x80, s23, s17, $0xb8;
	[tilespmem:$0x1ED00] =	vst v63  }
0xc7: {  	_ =	swait.ge [sflag:s14], $0x4000  }
0xc8: {  	[sflag:s14] =	ssyncset.done $0x0  }
0xc9: {  	[sflag:s14] =	ssyncadd.s32 $0xFFFFC000  }
0xca: {  	[spmem:s3] =	stream.indirect.scatter.add.f32 [tilespmem:s16], [sflag:$0x3], $0x1, s23, s17, $0xb8;
	[tilespmem:$0x1ED00] =	vst v63  }
0xcb: {  	_ =	swait.ge [sflag:s14], $0x80  }
0xcc: {  	[sflag:s14] =	ssyncset.done $0x0  }
0xcd: {  	[sflag:s14] =	ssyncadd.s32 $0xFFFFFF80  }
0xce: {  	_ =	swait.ge [sflag:s24], $0x4000  }
0xcf: {  	[sflag:s24] =	ssyncset.done $0x0  }
0xd0: {  	[sflag:s24] =	ssyncadd.s32 $0xFFFFC000  }
0xd1: {  	[spmem:s1] =	stream.indirect.scatter.add.f32 [tilespmem:s21], [sflag:$0x3], $0x80, s25, s17, $0xb8;
	[tilespmem:$0x1ED00] =	vst v63  }
0xd2: {  	_ =	swait.ge [sflag:s14], $0x4000  }
0xd3: {  	[sflag:s14] =	ssyncset.done $0x0  }
0xd4: {  	[sflag:s14] =	ssyncadd.s32 $0xFFFFC000  }
0xd5: {  	[spmem:s3] =	stream.indirect.scatter.add.f32 [tilespmem:s16], [sflag:$0x3], $0x1, s25, s17, $0xb8;
	[tilespmem:$0x1ED00] =	vst v63  }
0xd6: {  	_ =	swait.ge [sflag:s14], $0x80  }
0xd7: {  	[sflag:s14] =	ssyncset.done $0x0  }
0xd8: {  	[sflag:s14] =	ssyncadd.s32 $0xFFFFFF80  }
0xd9: {  	[bflag:$0x0] =	sbarrier.arrive $0xFFFF  }
0xda: {  	[hbm:s10], [sflag:s8] =	dma.local [spmem:s13], $0x2800  }
0xdb: {  	s28 =	simm.s32 @!p0 $0x1;
	_ =	swait.ge [sflag:s14], $0x2800  }
0xdc: {  	s29 =	simm.s32 @!p0 $0x20;
	s26 =	sadd.s32 $0x1, s26;
	[sflag:s14] =	ssyncset.done $0x0  }
0xdd: {  	s30 =	simm.s32 @!p0 $0x10;
	p1 =	sne.s32 s26, s12;
	[sflag:s14] =	ssyncadd.s32 $0xFFFFD800  }
0xde: {  	[hbm:s11@s29], [sflag:s8] =	dma.strided @!p0 [spmem:s15@s30], $0x500, s28, $0x10   }
.Ltmp1:
0xdf: {  	_ = 	snop;
	(pc) =	sbr.rel @p1 .LBB2_1-.Ltmp1, $4  }
0xe0: {  	s28 =	simm.s32 @!p0 $0x3  }
0xe1: {  	_ =	swait.ge @!p0 [sflag:s28], $0x500  }
0xe2: {  	[sflag:s28] =	ssyncset.done @!p0 $0x0  }
0xe3: {  	[sflag:s28] =	ssyncadd.s32 @!p0 $0xFFFFFB00  }
0xe4: {  	_ =	sfence.sel $0x180000  }
0xe5: {  	[bflag:$0x0] =	sbarrier.arrive $0xFFFF  }
0xe6: {  	_ =	strace $0x90000047  }
0xe7: {  	s0 =	sadd.s32 @!p0 $0x100000, s2;
	[bflag:$0x2] =	sbarrier.arrive $0xFFFF  }
0xe8: {  	[sflag:s0] =	ssyncadd.tile.s32 @!p0 $0x1;
	_ =	shalt  }
.Lfunc_end2:
_tile_overlayer_lowered:
.L_overlay_start_2:
0xe9: {  	(tag) =	ssettag $0x2  }
0xea: {  	s0 =	rddreg [dreg:$0x0];
	s2 =	stileid.u32  }
0xeb: {  	s1 =	rddreg [dreg:$0x1];
	p0 =	sne.s32 s2, $0x0  }
0xec: {  	s3 =	rddreg [dreg:$0x2];
	[bflag:$0x3] =	sbarrier.arrive $0xFFFF;
	s2 =	simm.s32 @!p0 $0x1C03  }
0xed: {  	[timem:s3], [sflag:s2] =	dma.local @!p0 [hbm:s0], s1  }
0xee: {  	s0 =	simm.s32 @!p0 $0x3  }
0xef: {  	_ =	swait.ge @!p0 [sflag:s0], s1  }
0xf0: {  	s1 =	ssub.s32 @!p0 $0x0, s1;
	[sflag:s0] =	ssyncset.done @!p0 $0x0  }
0xf1: {  	[sflag:s0] =	ssyncadd.s32 @!p0 s1  }
0xf2: {  	[bflag:$0x3] =	sbarrier.arrive $0xFFFF  }
0xf3: {  	_ =	shalt  }

</sc_bundles>
